<compile_context>
chip_gen: v7x
topology: tpu7x:2x2x1
jax: 0.10.2.dev20260603
libtpu: 0.0.44.dev20260713+nightly
codegen_flags: <defaults>
</compile_context>

<pallas_src>
import functools

import jax
import jax.numpy as jnp
from jax import lax
from jax.experimental import pallas as pl
from jax.experimental.pallas import tpu as pltpu
from jax.experimental.pallas import tpu_sc as plsc

B = 1024
N = 32768
L = 16

_NUM_CORES = 2
_NUM_SUBCORES = 16
_NW = _NUM_CORES * _NUM_SUBCORES
_ROWS_PER_W = B // _NW

BN = 16384
_NBLK = N // BN
_TOT = _ROWS_PER_W * _NBLK


def _masked_cumsum_body(x_hbm, m_hbm, out_hbm,
                        x0, x1, m0, m1, ov,
                        sx0, sx1, sm0, sm1):
    wid = lax.axis_index("s") * _NUM_CORES + lax.axis_index("c")
    base_row = wid * _ROWS_PER_W

    def hbm_at(ref, b):
        row = base_row + b // _NBLK
        off = (b % _NBLK) * BN
        return ref.at[row, pl.ds(off, BN)]

    def issue_in(b, xv, mv, sx, sm):
        @pl.when(b < _TOT)
        def _():
            pltpu.async_copy(hbm_at(x_hbm, b), xv, sx)
            pltpu.async_copy(hbm_at(m_hbm, b), mv, sm)

    def wait_in(xv, mv, sx, sm):
        pltpu.make_async_copy(x_hbm.at[0, pl.ds(0, BN)], xv, sx).wait()
        pltpu.make_async_copy(m_hbm.at[0, pl.ds(0, BN)], mv, sm).wait()

    def step(b, xv, mv, carry):
        carry = jnp.where(b % _NBLK == 0, jnp.float32(0.0), carry)

        @plsc.parallel_loop(0, BN // L, carry=carry, unroll=8)
        def chunk(i, c):
            sl = pl.ds(i * L, L)
            v = xv[sl] * mv[sl]
            ov[sl] = plsc.cumsum(v) + c
            return c + jnp.sum(v)

        pltpu.sync_copy(ov, hbm_at(out_hbm, b))
        return chunk

    issue_in(0, x0, m0, sx0, sm0)

    def pair(t, carry):
        b0 = 2 * t
        b1 = 2 * t + 1
        wait_in(x0, m0, sx0, sm0)
        issue_in(b1, x1, m1, sx1, sm1)
        carry = step(b0, x0, m0, carry)
        wait_in(x1, m1, sx1, sm1)
        issue_in(b1 + 1, x0, m0, sx0, sm0)
        carry = step(b1, x1, m1, carry)
        return carry

    lax.fori_loop(0, _TOT // 2, pair, jnp.float32(0.0))


@jax.jit
def _masked_cumsum(x, m):
    mesh = plsc.VectorSubcoreMesh(core_axis_name="c", subcore_axis_name="s")
    fn = functools.partial(
        pl.kernel,
        mesh=mesh,
        out_type=jax.ShapeDtypeStruct((B, N), jnp.float32),
        scratch_types=[
            pltpu.VMEM((BN,), jnp.float32),
            pltpu.VMEM((BN,), jnp.float32),
            pltpu.VMEM((BN,), jnp.float32),
            pltpu.VMEM((BN,), jnp.float32),
            pltpu.VMEM((BN,), jnp.float32),
            pltpu.SemaphoreType.DMA,
            pltpu.SemaphoreType.DMA,
            pltpu.SemaphoreType.DMA,
            pltpu.SemaphoreType.DMA,
        ],
        compiler_params=pltpu.CompilerParams(needs_layout_passes=False),
    )(_masked_cumsum_body)
    return fn(x, m)


def kernel(x, mask):
    return _masked_cumsum(x, mask.astype(jnp.float32))

# --- scband reference (transcript-rebuilt; emitter-appended) ---
"""Pipeline reference for scband-model-new-25056839204948 (READ-ONLY COPY).

The authoritative reference and input builder live on the scoring server;
editing this copy changes nothing except your own understanding.
"""

import jax, jax.numpy as jnp
import numpy as np

B = 1024
N = 32768

def setup_inputs(seed: int = 0) -> dict:
    key = jax.random.key(seed)
    k1, k2 = jax.random.split(key)
    x = jax.random.normal(k1, (B, N), dtype=jnp.float32)
    mask = jax.random.randint(k2, (B, N), 0, 2).astype(jnp.bool_)
    return {"x": x, "mask": mask}

def reference(x, mask):
    # Masked cumulative sum along dim 1: elements where mask is False
    # contribute 0 to the running sum.
    masked = jnp.where(mask, x, jnp.zeros_like(x))
    return jnp.cumsum(masked, axis=1)

if __name__ == "__main__":
    import jax
    _d = setup_inputs()
    print(jax.jit(kernel)(*tuple(_d.values())))

</pallas_src>

<mosaic_0001>
#map = affine_map<(d0, d1) -> (0, 0)>
module attributes {stable_mosaic.version = 14 : i64} {
  func.func @_masked_cumsum_body(%arg0: i32, %arg1: i32, %arg2: memref<1024x32768xf32, #tpu.memory_space<hbm>>, %arg3: memref<1024x32768xf32, #tpu.memory_space<hbm>>, %arg4: memref<1024x32768xf32, #tpu.memory_space<hbm>>, %arg5: memref<16384xf32, #tpu.memory_space<vmem>>, %arg6: memref<16384xf32, #tpu.memory_space<vmem>>, %arg7: memref<16384xf32, #tpu.memory_space<vmem>>, %arg8: memref<16384xf32, #tpu.memory_space<vmem>>, %arg9: memref<16384xf32, #tpu.memory_space<vmem>>, %arg10: memref<!tpu.dma_semaphore, #tpu.memory_space<semaphore_mem>>, %arg11: memref<!tpu.dma_semaphore, #tpu.memory_space<semaphore_mem>>, %arg12: memref<!tpu.dma_semaphore, #tpu.memory_space<semaphore_mem>>, %arg13: memref<!tpu.dma_semaphore, #tpu.memory_space<semaphore_mem>>) attributes {dimension_semantics = [#tpu.dimension_semantics<core_parallel>, #tpu.dimension_semantics<subcore_parallel>], iteration_bounds = array<i64: 2, 16>, scalar_prefetch = 0 : i64, scratch_operands = 9 : i64, tpu.core_type = #tpu.core_type<sc_vector_subcore>, window_params = [{transform_indices = #map}, {transform_indices = #map}, {transform_indices = #map}]} {
    %mul3A = arith.constant 2 : i32
    %mul3A_0 = arith.muli %arg1, %mul3A : i32
    %add3A = arith.addi %mul3A_0, %arg0 : i32
    %mul3A_1 = arith.constant 32 : i32
    %mul3A_2 = arith.muli %add3A, %mul3A_1 : i32
    %add3A_3 = arith.constant 0 : i32
    %add3A_4 = arith.addi %mul3A_2, %add3A_3 : i32
    %dma_start3A = arith.constant 0 : i32
    %dma_start3A_5 = tpu.memref_slice %arg2[%add3A_4, %dma_start3A] : memref<1024x32768xf32, #tpu.memory_space<hbm>> -> memref<1x16384xf32, #tpu.memory_space<hbm>>
    %dma_start3A_6 = tpu.memref_squeeze %dma_start3A_5 : memref<1x16384xf32, #tpu.memory_space<hbm>> -> memref<16384xf32, #tpu.memory_space<hbm>>
    %dma_start3A_7 = arith.constant 0 : i32
    %dma_start3A_8 = tpu.memref_slice %arg2[%add3A_4, %dma_start3A_7] : memref<1024x32768xf32, #tpu.memory_space<hbm>> -> memref<1x16384xf32, #tpu.memory_space<hbm>>
    %dma_start3A_9 = tpu.memref_squeeze %dma_start3A_8 : memref<1x16384xf32, #tpu.memory_space<hbm>> -> memref<16384xf32, #tpu.memory_space<hbm>>
    tpu.enqueue_dma source(%dma_start3A_9 : memref<16384xf32, #tpu.memory_space<hbm>>) target(%arg5 : memref<16384xf32, #tpu.memory_space<vmem>>) target_semaphore(%arg10 : memref<!tpu.dma_semaphore, #tpu.memory_space<semaphore_mem>>)
    %add3A_10 = arith.constant 0 : i32
    %add3A_11 = arith.addi %mul3A_2, %add3A_10 : i32
    %dma_start3A_12 = arith.constant 0 : i32
    %dma_start3A_13 = tpu.memref_slice %arg3[%add3A_11, %dma_start3A_12] : memref<1024x32768xf32, #tpu.memory_space<hbm>> -> memref<1x16384xf32, #tpu.memory_space<hbm>>
    %dma_start3A_14 = tpu.memref_squeeze %dma_start3A_13 : memref<1x16384xf32, #tpu.memory_space<hbm>> -> memref<16384xf32, #tpu.memory_space<hbm>>
    %dma_start3A_15 = arith.constant 0 : i32
    %dma_start3A_16 = tpu.memref_slice %arg3[%add3A_11, %dma_start3A_15] : memref<1024x32768xf32, #tpu.memory_space<hbm>> -> memref<1x16384xf32, #tpu.memory_space<hbm>>
    %dma_start3A_17 = tpu.memref_squeeze %dma_start3A_16 : memref<1x16384xf32, #tpu.memory_space<hbm>> -> memref<16384xf32, #tpu.memory_space<hbm>>
    tpu.enqueue_dma source(%dma_start3A_17 : memref<16384xf32, #tpu.memory_space<hbm>>) target(%arg7 : memref<16384xf32, #tpu.memory_space<vmem>>) target_semaphore(%arg12 : memref<!tpu.dma_semaphore, #tpu.memory_space<semaphore_mem>>)
    %scan3A = arith.constant 0.000000e+00 : f32
    %scan3A_18 = arith.constant 0 : i32
    %scan3A_19 = arith.constant 32 : i32
    %scan3A_20 = arith.addi %scan3A_18, %scan3A_19 : i32
    %scan3A_21 = arith.constant 1 : i32
    %scan3A_22 = scf.for %scan3A_24 = %scan3A_18 to %scan3A_20 step %scan3A_21 iter_args(%scan3A_25 = %scan3A) -> (f32)  : i32 {
      %mul3A_26 = arith.constant 2 : i32
      %mul3A_27 = arith.muli %mul3A_26, %scan3A_24 : i32
      %mul3A_28 = arith.constant 2 : i32
      %mul3A_29 = arith.muli %mul3A_28, %scan3A_24 : i32
      %add3A_30 = arith.constant 1 : i32
      %add3A_31 = arith.addi %mul3A_29, %add3A_30 : i32
      %dma_wait3A = arith.constant 0 : i32
      %dma_wait3A_32 = arith.constant 0 : i32
      %dma_wait3A_33 = tpu.memref_slice %arg2[%dma_wait3A, %dma_wait3A_32] : memref<1024x32768xf32, #tpu.memory_space<hbm>> -> memref<1x16384xf32, #tpu.memory_space<hbm>>
      %dma_wait3A_34 = tpu.memref_squeeze %dma_wait3A_33 : memref<1x16384xf32, #tpu.memory_space<hbm>> -> memref<16384xf32, #tpu.memory_space<hbm>>
      %dma_wait3A_35 = arith.constant 0 : i32
      %dma_wait3A_36 = tpu.memref_slice %arg2[%dma_wait3A, %dma_wait3A_35] : memref<1024x32768xf32, #tpu.memory_space<hbm>> -> memref<1x16384xf32, #tpu.memory_space<hbm>>
      %dma_wait3A_37 = tpu.memref_squeeze %dma_wait3A_36 : memref<1x16384xf32, #tpu.memory_space<hbm>> -> memref<16384xf32, #tpu.memory_space<hbm>>
      tpu.wait_dma2 semaphore(%arg10 : memref<!tpu.dma_semaphore, #tpu.memory_space<semaphore_mem>>) src(%dma_wait3A_37 : memref<16384xf32, #tpu.memory_space<hbm>>) dst(%arg5 : memref<16384xf32, #tpu.memory_space<vmem>>)
      %dma_wait3A_38 = arith.constant 0 : i32
      %dma_wait3A_39 = arith.constant 0 : i32
      %dma_wait3A_40 = tpu.memref_slice %arg3[%dma_wait3A_38, %dma_wait3A_39] : memref<1024x32768xf32, #tpu.memory_space<hbm>> -> memref<1x16384xf32, #tpu.memory_space<hbm>>
      %dma_wait3A_41 = tpu.memref_squeeze %dma_wait3A_40 : memref<1x16384xf32, #tpu.memory_space<hbm>> -> memref<16384xf32, #tpu.memory_space<hbm>>
      %dma_wait3A_42 = arith.constant 0 : i32
      %dma_wait3A_43 = tpu.memref_slice %arg3[%dma_wait3A_38, %dma_wait3A_42] : memref<1024x32768xf32, #tpu.memory_space<hbm>> -> memref<1x16384xf32, #tpu.memory_space<hbm>>
      %dma_wait3A_44 = tpu.memref_squeeze %dma_wait3A_43 : memref<1x16384xf32, #tpu.memory_space<hbm>> -> memref<16384xf32, #tpu.memory_space<hbm>>
      tpu.wait_dma2 semaphore(%arg12 : memref<!tpu.dma_semaphore, #tpu.memory_space<semaphore_mem>>) src(%dma_wait3A_44 : memref<16384xf32, #tpu.memory_space<hbm>>) dst(%arg7 : memref<16384xf32, #tpu.memory_space<vmem>>)
      %lt3A = arith.constant 64 : i32
      %lt3A_45 = arith.cmpi slt, %add3A_31, %lt3A : i32
      %convert_element_type3A = arith.extui %lt3A_45 : i1 to i32
      %cond3A = arith.constant 0 : i32
      %cond3A_46 = arith.cmpi ne, %convert_element_type3A, %cond3A : i32
      scf.if %cond3A_46 {
        %jit3A_192 = arith.constant 2 : i32
        %div3A_193 = arith.divsi %add3A_31, %jit3A_192 : i32
        %sign3A_194 = arith.constant 0 : i32
        %sign3A_195 = arith.cmpi sgt, %add3A_31, %sign3A_194 : i32
        %sign3A_196 = arith.extui %sign3A_195 : i1 to i32
        %sign3A_197 = arith.constant 0 : i32
        %sign3A_198 = arith.cmpi slt, %add3A_31, %sign3A_197 : i32
        %sign3A_199 = arith.extui %sign3A_198 : i1 to i32
        %sign3A_200 = arith.subi %sign3A_196, %sign3A_199 : i32
        %sign3A_201 = arith.constant 0 : i32
        %sign3A_202 = arith.cmpi sgt, %jit3A_192, %sign3A_201 : i32
        %sign3A_203 = arith.extui %sign3A_202 : i1 to i32
        %sign3A_204 = arith.constant 0 : i32
        %sign3A_205 = arith.cmpi slt, %jit3A_192, %sign3A_204 : i32
        %sign3A_206 = arith.extui %sign3A_205 : i1 to i32
        %sign3A_207 = arith.subi %sign3A_203, %sign3A_206 : i32
        %ne3A_208 = arith.cmpi ne, %sign3A_200, %sign3A_207 : i32
        %rem3A_209 = arith.remsi %add3A_31, %jit3A_192 : i32
        %ne3A_210 = arith.constant 0 : i32
        %ne3A_211 = arith.cmpi ne, %rem3A_209, %ne3A_210 : i32
        %and3A_212 = arith.andi %ne3A_208, %ne3A_211 : i1
        %sub3A_213 = arith.constant 1 : i32
        %sub3A_214 = arith.subi %div3A_193, %sub3A_213 : i32
        %select_n3A_215 = arith.select %and3A_212, %sub3A_214, %div3A_193 : i32
        %add3A_216 = arith.addi %mul3A_2, %select_n3A_215 : i32
        %jit3A_217 = arith.constant 2 : i32
        %eq3A_218 = arith.constant 0 : i32
        %eq3A_219 = arith.cmpi eq, %jit3A_217, %eq3A_218 : i32
        %jit3A_220 = arith.constant 1 : i32
        %select_n3A_221 = arith.select %eq3A_219, %jit3A_220, %jit3A_217 : i32
        %rem3A_222 = arith.remsi %add3A_31, %select_n3A_221 : i32
        %ne3A_223 = arith.constant 0 : i32
        %ne3A_224 = arith.cmpi ne, %rem3A_222, %ne3A_223 : i32
        %lt3A_225 = arith.constant 0 : i32
        %lt3A_226 = arith.cmpi slt, %rem3A_222, %lt3A_225 : i32
        %lt3A_227 = arith.constant 0 : i32
        %lt3A_228 = arith.cmpi slt, %select_n3A_221, %lt3A_227 : i32
        %ne3A_229 = arith.xori %lt3A_226, %lt3A_228 : i1
        %and3A_230 = arith.andi %ne3A_229, %ne3A_224 : i1
        %add3A_231 = arith.addi %rem3A_222, %select_n3A_221 : i32
        %select_n3A_232 = arith.select %and3A_230, %add3A_231, %rem3A_222 : i32
        %mul3A_233 = arith.constant 16384 : i32
        %mul3A_234 = arith.muli %select_n3A_232, %mul3A_233 : i32
        %dma_start3A_235 = tpu.memref_slice %arg2[%add3A_216, %mul3A_234] : memref<1024x32768xf32, #tpu.memory_space<hbm>> -> memref<1x16384xf32, #tpu.memory_space<hbm>>
        %dma_start3A_236 = tpu.memref_squeeze %dma_start3A_235 : memref<1x16384xf32, #tpu.memory_space<hbm>> -> memref<16384xf32, #tpu.memory_space<hbm>>
        %dma_start3A_237 = tpu.memref_slice %arg2[%add3A_216, %mul3A_234] : memref<1024x32768xf32, #tpu.memory_space<hbm>> -> memref<1x16384xf32, #tpu.memory_space<hbm>>
        %dma_start3A_238 = tpu.memref_squeeze %dma_start3A_237 : memref<1x16384xf32, #tpu.memory_space<hbm>> -> memref<16384xf32, #tpu.memory_space<hbm>>
        tpu.enqueue_dma source(%dma_start3A_238 : memref<16384xf32, #tpu.memory_space<hbm>>) target(%arg6 : memref<16384xf32, #tpu.memory_space<vmem>>) target_semaphore(%arg11 : memref<!tpu.dma_semaphore, #tpu.memory_space<semaphore_mem>>)
        %jit3A_239 = arith.constant 2 : i32
        %div3A_240 = arith.divsi %add3A_31, %jit3A_239 : i32
        %sign3A_241 = arith.constant 0 : i32
        %sign3A_242 = arith.cmpi sgt, %add3A_31, %sign3A_241 : i32
        %sign3A_243 = arith.extui %sign3A_242 : i1 to i32
        %sign3A_244 = arith.constant 0 : i32
        %sign3A_245 = arith.cmpi slt, %add3A_31, %sign3A_244 : i32
        %sign3A_246 = arith.extui %sign3A_245 : i1 to i32
        %sign3A_247 = arith.subi %sign3A_243, %sign3A_246 : i32
        %sign3A_248 = arith.constant 0 : i32
        %sign3A_249 = arith.cmpi sgt, %jit3A_239, %sign3A_248 : i32
        %sign3A_250 = arith.extui %sign3A_249 : i1 to i32
        %sign3A_251 = arith.constant 0 : i32
        %sign3A_252 = arith.cmpi slt, %jit3A_239, %sign3A_251 : i32
        %sign3A_253 = arith.extui %sign3A_252 : i1 to i32
        %sign3A_254 = arith.subi %sign3A_250, %sign3A_253 : i32
        %ne3A_255 = arith.cmpi ne, %sign3A_247, %sign3A_254 : i32
        %rem3A_256 = arith.remsi %add3A_31, %jit3A_239 : i32
        %ne3A_257 = arith.constant 0 : i32
        %ne3A_258 = arith.cmpi ne, %rem3A_256, %ne3A_257 : i32
        %and3A_259 = arith.andi %ne3A_255, %ne3A_258 : i1
        %sub3A_260 = arith.constant 1 : i32
        %sub3A_261 = arith.subi %div3A_240, %sub3A_260 : i32
        %select_n3A_262 = arith.select %and3A_259, %sub3A_261, %div3A_240 : i32
        %add3A_263 = arith.addi %mul3A_2, %select_n3A_262 : i32
        %jit3A_264 = arith.constant 2 : i32
        %eq3A_265 = arith.constant 0 : i32
        %eq3A_266 = arith.cmpi eq, %jit3A_264, %eq3A_265 : i32
        %jit3A_267 = arith.constant 1 : i32
        %select_n3A_268 = arith.select %eq3A_266, %jit3A_267, %jit3A_264 : i32
        %rem3A_269 = arith.remsi %add3A_31, %select_n3A_268 : i32
        %ne3A_270 = arith.constant 0 : i32
        %ne3A_271 = arith.cmpi ne, %rem3A_269, %ne3A_270 : i32
        %lt3A_272 = arith.constant 0 : i32
        %lt3A_273 = arith.cmpi slt, %rem3A_269, %lt3A_272 : i32
        %lt3A_274 = arith.constant 0 : i32
        %lt3A_275 = arith.cmpi slt, %select_n3A_268, %lt3A_274 : i32
        %ne3A_276 = arith.xori %lt3A_273, %lt3A_275 : i1
        %and3A_277 = arith.andi %ne3A_276, %ne3A_271 : i1
        %add3A_278 = arith.addi %rem3A_269, %select_n3A_268 : i32
        %select_n3A_279 = arith.select %and3A_277, %add3A_278, %rem3A_269 : i32
        %mul3A_280 = arith.constant 16384 : i32
        %mul3A_281 = arith.muli %select_n3A_279, %mul3A_280 : i32
        %dma_start3A_282 = tpu.memref_slice %arg3[%add3A_263, %mul3A_281] : memref<1024x32768xf32, #tpu.memory_space<hbm>> -> memref<1x16384xf32, #tpu.memory_space<hbm>>
        %dma_start3A_283 = tpu.memref_squeeze %dma_start3A_282 : memref<1x16384xf32, #tpu.memory_space<hbm>> -> memref<16384xf32, #tpu.memory_space<hbm>>
        %dma_start3A_284 = tpu.memref_slice %arg3[%add3A_263, %mul3A_281] : memref<1024x32768xf32, #tpu.memory_space<hbm>> -> memref<1x16384xf32, #tpu.memory_space<hbm>>
        %dma_start3A_285 = tpu.memref_squeeze %dma_start3A_284 : memref<1x16384xf32, #tpu.memory_space<hbm>> -> memref<16384xf32, #tpu.memory_space<hbm>>
        tpu.enqueue_dma source(%dma_start3A_285 : memref<16384xf32, #tpu.memory_space<hbm>>) target(%arg8 : memref<16384xf32, #tpu.memory_space<vmem>>) target_semaphore(%arg13 : memref<!tpu.dma_semaphore, #tpu.memory_space<semaphore_mem>>)
      } else {
      }
      %jit3A = arith.constant 2 : i32
      %eq3A = arith.constant 0 : i32
      %eq3A_47 = arith.cmpi eq, %jit3A, %eq3A : i32
      %jit3A_48 = arith.constant 1 : i32
      %select_n3A = arith.select %eq3A_47, %jit3A_48, %jit3A : i32
      %rem3A = arith.remsi %mul3A_27, %select_n3A : i32
      %ne3A = arith.constant 0 : i32
      %ne3A_49 = arith.cmpi ne, %rem3A, %ne3A : i32
      %lt3A_50 = arith.constant 0 : i32
      %lt3A_51 = arith.cmpi slt, %rem3A, %lt3A_50 : i32
      %lt3A_52 = arith.constant 0 : i32
      %lt3A_53 = arith.cmpi slt, %select_n3A, %lt3A_52 : i32
      %ne3A_54 = arith.xori %lt3A_51, %lt3A_53 : i1
      %and3A = arith.andi %ne3A_54, %ne3A_49 : i1
      %add3A_55 = arith.addi %rem3A, %select_n3A : i32
      %select_n3A_56 = arith.select %and3A, %add3A_55, %rem3A : i32
      %eq3A_57 = arith.constant 0 : i32
      %eq3A_58 = arith.cmpi eq, %select_n3A_56, %eq3A_57 : i32
      %jit3A_59 = arith.constant 0.000000e+00 : f32
      %select_n3A_60 = arith.select %eq3A_58, %jit3A_59, %scan3A_25 : f32
      %parallel_loop3A = arith.constant 0 : i32
      %parallel_loop3A_61 = arith.constant 1024 : i32
      %parallel_loop3A_62 = arith.constant 1 : i32
      %parallel_loop3A_63 = scf.for %parallel_loop3A_192 = %parallel_loop3A to %parallel_loop3A_61 step %parallel_loop3A_62 iter_args(%parallel_loop3A_193 = %select_n3A_60) -> (f32)  : i32 {
        %parallel_loop3A_194 = arith.constant 16 : i32
        %parallel_loop3A_195 = arith.muli %parallel_loop3A_192, %parallel_loop3A_194 : i32
        %parallel_loop3A_196 = arith.index_cast %parallel_loop3A_195 : i32 to index
        %parallel_loop3A_197 = tpu.vector_load %arg5[%parallel_loop3A_196] {strides = array<i32>} : memref<16384xf32, #tpu.memory_space<vmem>>, vector<16xf32>,
        %parallel_loop3A_198 = arith.index_cast %parallel_loop3A_195 : i32 to index
        %parallel_loop3A_199 = tpu.vector_load %arg7[%parallel_loop3A_198] {strides = array<i32>} : memref<16384xf32, #tpu.memory_space<vmem>>, vector<16xf32>,
        %parallel_loop3A_200 = arith.mulf %parallel_loop3A_197, %parallel_loop3A_199 : vector<16xf32>
        %parallel_loop3A_201 = arith.constant true
        %parallel_loop3A_202 = vector.broadcast %parallel_loop3A_201 : i1 to vector<16xi1>
        %parallel_loop3A_203 = tpu.scan <sum>, %parallel_loop3A_200 masked %parallel_loop3A_202 : vector<16xf32>, vector<16xi1> -> vector<16xf32>
        %parallel_loop3A_204 = vector.broadcast %parallel_loop3A_193 : f32 to vector<16xf32>
        %parallel_loop3A_205 = arith.addf %parallel_loop3A_203, %parallel_loop3A_204 : vector<16xf32>
        %parallel_loop3A_206 = arith.index_cast %parallel_loop3A_195 : i32 to index
        %parallel_loop3A_207 = tpu.vector_load %arg9[%parallel_loop3A_206] {strides = array<i32>} : memref<16384xf32, #tpu.memory_space<vmem>>, vector<16xf32>,
        tpu.vector_store %arg9[%parallel_loop3A_206], %parallel_loop3A_205 {strides = array<i32>} : memref<16384xf32, #tpu.memory_space<vmem>>, vector<16xf32>,
        %parallel_loop3A_208 = arith.constant true
        %parallel_loop3A_209 = vector.broadcast %parallel_loop3A_208 : i1 to vector<16xi1>
        %parallel_loop3A_210 = tpu.scan <sum>, %parallel_loop3A_200 masked %parallel_loop3A_209 : vector<16xf32>, vector<16xi1> -> vector<16xf32>
        %parallel_loop3A_211 = vector.extract %parallel_loop3A_210[15] : f32 from vector<16xf32>
        %parallel_loop3A_212 = arith.addf %parallel_loop3A_193, %parallel_loop3A_211 : f32
        scf.yield %parallel_loop3A_212 : f32
      } {sc.loop_unroll_factor = 8 : i64, sc.parallel_access}
      %jit3A_64 = arith.constant 2 : i32
      %div3A = arith.divsi %mul3A_27, %jit3A_64 : i32
      %sign3A = arith.constant 0 : i32
      %sign3A_65 = arith.cmpi sgt, %mul3A_27, %sign3A : i32
      %sign3A_66 = arith.extui %sign3A_65 : i1 to i32
      %sign3A_67 = arith.constant 0 : i32
      %sign3A_68 = arith.cmpi slt, %mul3A_27, %sign3A_67 : i32
      %sign3A_69 = arith.extui %sign3A_68 : i1 to i32
      %sign3A_70 = arith.subi %sign3A_66, %sign3A_69 : i32
      %sign3A_71 = arith.constant 0 : i32
      %sign3A_72 = arith.cmpi sgt, %jit3A_64, %sign3A_71 : i32
      %sign3A_73 = arith.extui %sign3A_72 : i1 to i32
      %sign3A_74 = arith.constant 0 : i32
      %sign3A_75 = arith.cmpi slt, %jit3A_64, %sign3A_74 : i32
      %sign3A_76 = arith.extui %sign3A_75 : i1 to i32
      %sign3A_77 = arith.subi %sign3A_73, %sign3A_76 : i32
      %ne3A_78 = arith.cmpi ne, %sign3A_70, %sign3A_77 : i32
      %rem3A_79 = arith.remsi %mul3A_27, %jit3A_64 : i32
      %ne3A_80 = arith.constant 0 : i32
      %ne3A_81 = arith.cmpi ne, %rem3A_79, %ne3A_80 : i32
      %and3A_82 = arith.andi %ne3A_78, %ne3A_81 : i1
      %sub3A = arith.constant 1 : i32
      %sub3A_83 = arith.subi %div3A, %sub3A : i32
      %select_n3A_84 = arith.select %and3A_82, %sub3A_83, %div3A : i32
      %add3A_85 = arith.addi %mul3A_2, %select_n3A_84 : i32
      %jit3A_86 = arith.constant 2 : i32
      %eq3A_87 = arith.constant 0 : i32
      %eq3A_88 = arith.cmpi eq, %jit3A_86, %eq3A_87 : i32
      %jit3A_89 = arith.constant 1 : i32
      %select_n3A_90 = arith.select %eq3A_88, %jit3A_89, %jit3A_86 : i32
      %rem3A_91 = arith.remsi %mul3A_27, %select_n3A_90 : i32
      %ne3A_92 = arith.constant 0 : i32
      %ne3A_93 = arith.cmpi ne, %rem3A_91, %ne3A_92 : i32
      %lt3A_94 = arith.constant 0 : i32
      %lt3A_95 = arith.cmpi slt, %rem3A_91, %lt3A_94 : i32
      %lt3A_96 = arith.constant 0 : i32
      %lt3A_97 = arith.cmpi slt, %select_n3A_90, %lt3A_96 : i32
      %ne3A_98 = arith.xori %lt3A_95, %lt3A_97 : i1
      %and3A_99 = arith.andi %ne3A_98, %ne3A_93 : i1
      %add3A_100 = arith.addi %rem3A_91, %select_n3A_90 : i32
      %select_n3A_101 = arith.select %and3A_99, %add3A_100, %rem3A_91 : i32
      %mul3A_102 = arith.constant 16384 : i32
      %mul3A_103 = arith.muli %select_n3A_101, %mul3A_102 : i32
      "tpu.region"() ({
        %run_scoped3A = tpu.sem_alloc : memref<!tpu.dma_semaphore, #tpu.memory_space<semaphore_mem>>
        %dma_start3A_192 = tpu.memref_slice %arg4[%add3A_85, %mul3A_103] : memref<1024x32768xf32, #tpu.memory_space<hbm>> -> memref<1x16384xf32, #tpu.memory_space<hbm>>
        %dma_start3A_193 = tpu.memref_squeeze %dma_start3A_192 : memref<1x16384xf32, #tpu.memory_space<hbm>> -> memref<16384xf32, #tpu.memory_space<hbm>>
        %dma_start3A_194 = tpu.memref_slice %arg4[%add3A_85, %mul3A_103] : memref<1024x32768xf32, #tpu.memory_space<hbm>> -> memref<1x16384xf32, #tpu.memory_space<hbm>>
        %dma_start3A_195 = tpu.memref_squeeze %dma_start3A_194 : memref<1x16384xf32, #tpu.memory_space<hbm>> -> memref<16384xf32, #tpu.memory_space<hbm>>
        tpu.enqueue_dma source(%arg9 : memref<16384xf32, #tpu.memory_space<vmem>>) target(%dma_start3A_195 : memref<16384xf32, #tpu.memory_space<hbm>>) target_semaphore(%run_scoped3A : memref<!tpu.dma_semaphore, #tpu.memory_space<semaphore_mem>>)
        %dma_wait3A_196 = tpu.memref_slice %arg4[%add3A_85, %mul3A_103] : memref<1024x32768xf32, #tpu.memory_space<hbm>> -> memref<1x16384xf32, #tpu.memory_space<hbm>>
        %dma_wait3A_197 = tpu.memref_squeeze %dma_wait3A_196 : memref<1x16384xf32, #tpu.memory_space<hbm>> -> memref<16384xf32, #tpu.memory_space<hbm>>
        %dma_wait3A_198 = tpu.memref_slice %arg4[%add3A_85, %mul3A_103] : memref<1024x32768xf32, #tpu.memory_space<hbm>> -> memref<1x16384xf32, #tpu.memory_space<hbm>>
        %dma_wait3A_199 = tpu.memref_squeeze %dma_wait3A_198 : memref<1x16384xf32, #tpu.memory_space<hbm>> -> memref<16384xf32, #tpu.memory_space<hbm>>
        tpu.wait_dma2 semaphore(%run_scoped3A : memref<!tpu.dma_semaphore, #tpu.memory_space<semaphore_mem>>) src(%arg9 : memref<16384xf32, #tpu.memory_space<vmem>>) dst(%dma_wait3A_199 : memref<16384xf32, #tpu.memory_space<hbm>>)
        tpu.yield
      }) : () -> ()
      %dma_wait3A_104 = arith.constant 0 : i32
      %dma_wait3A_105 = arith.constant 0 : i32
      %dma_wait3A_106 = tpu.memref_slice %arg2[%dma_wait3A_104, %dma_wait3A_105] : memref<1024x32768xf32, #tpu.memory_space<hbm>> -> memref<1x16384xf32, #tpu.memory_space<hbm>>
      %dma_wait3A_107 = tpu.memref_squeeze %dma_wait3A_106 : memref<1x16384xf32, #tpu.memory_space<hbm>> -> memref<16384xf32, #tpu.memory_space<hbm>>
      %dma_wait3A_108 = arith.constant 0 : i32
      %dma_wait3A_109 = tpu.memref_slice %arg2[%dma_wait3A_104, %dma_wait3A_108] : memref<1024x32768xf32, #tpu.memory_space<hbm>> -> memref<1x16384xf32, #tpu.memory_space<hbm>>
      %dma_wait3A_110 = tpu.memref_squeeze %dma_wait3A_109 : memref<1x16384xf32, #tpu.memory_space<hbm>> -> memref<16384xf32, #tpu.memory_space<hbm>>
      tpu.wait_dma2 semaphore(%arg11 : memref<!tpu.dma_semaphore, #tpu.memory_space<semaphore_mem>>) src(%dma_wait3A_110 : memref<16384xf32, #tpu.memory_space<hbm>>) dst(%arg6 : memref<16384xf32, #tpu.memory_space<vmem>>)
      %dma_wait3A_111 = arith.constant 0 : i32
      %dma_wait3A_112 = arith.constant 0 : i32
      %dma_wait3A_113 = tpu.memref_slice %arg3[%dma_wait3A_111, %dma_wait3A_112] : memref<1024x32768xf32, #tpu.memory_space<hbm>> -> memref<1x16384xf32, #tpu.memory_space<hbm>>
      %dma_wait3A_114 = tpu.memref_squeeze %dma_wait3A_113 : memref<1x16384xf32, #tpu.memory_space<hbm>> -> memref<16384xf32, #tpu.memory_space<hbm>>
      %dma_wait3A_115 = arith.constant 0 : i32
      %dma_wait3A_116 = tpu.memref_slice %arg3[%dma_wait3A_111, %dma_wait3A_115] : memref<1024x32768xf32, #tpu.memory_space<hbm>> -> memref<1x16384xf32, #tpu.memory_space<hbm>>
      %dma_wait3A_117 = tpu.memref_squeeze %dma_wait3A_116 : memref<1x16384xf32, #tpu.memory_space<hbm>> -> memref<16384xf32, #tpu.memory_space<hbm>>
      tpu.wait_dma2 semaphore(%arg13 : memref<!tpu.dma_semaphore, #tpu.memory_space<semaphore_mem>>) src(%dma_wait3A_117 : memref<16384xf32, #tpu.memory_space<hbm>>) dst(%arg8 : memref<16384xf32, #tpu.memory_space<vmem>>)
      %add3A_118 = arith.constant 1 : i32
      %add3A_119 = arith.addi %add3A_31, %add3A_118 : i32
      %lt3A_120 = arith.constant 64 : i32
      %lt3A_121 = arith.cmpi slt, %add3A_119, %lt3A_120 : i32
      %convert_element_type3A_122 = arith.extui %lt3A_121 : i1 to i32
      %cond3A_123 = arith.constant 0 : i32
      %cond3A_124 = arith.cmpi ne, %convert_element_type3A_122, %cond3A_123 : i32
      scf.if %cond3A_124 {
        %jit3A_192 = arith.constant 2 : i32
        %div3A_193 = arith.divsi %add3A_119, %jit3A_192 : i32
        %sign3A_194 = arith.constant 0 : i32
        %sign3A_195 = arith.cmpi sgt, %add3A_119, %sign3A_194 : i32
        %sign3A_196 = arith.extui %sign3A_195 : i1 to i32
        %sign3A_197 = arith.constant 0 : i32
        %sign3A_198 = arith.cmpi slt, %add3A_119, %sign3A_197 : i32
        %sign3A_199 = arith.extui %sign3A_198 : i1 to i32
        %sign3A_200 = arith.subi %sign3A_196, %sign3A_199 : i32
        %sign3A_201 = arith.constant 0 : i32
        %sign3A_202 = arith.cmpi sgt, %jit3A_192, %sign3A_201 : i32
        %sign3A_203 = arith.extui %sign3A_202 : i1 to i32
        %sign3A_204 = arith.constant 0 : i32
        %sign3A_205 = arith.cmpi slt, %jit3A_192, %sign3A_204 : i32
        %sign3A_206 = arith.extui %sign3A_205 : i1 to i32
        %sign3A_207 = arith.subi %sign3A_203, %sign3A_206 : i32
        %ne3A_208 = arith.cmpi ne, %sign3A_200, %sign3A_207 : i32
        %rem3A_209 = arith.remsi %add3A_119, %jit3A_192 : i32
        %ne3A_210 = arith.constant 0 : i32
        %ne3A_211 = arith.cmpi ne, %rem3A_209, %ne3A_210 : i32
        %and3A_212 = arith.andi %ne3A_208, %ne3A_211 : i1
        %sub3A_213 = arith.constant 1 : i32
        %sub3A_214 = arith.subi %div3A_193, %sub3A_213 : i32
        %select_n3A_215 = arith.select %and3A_212, %sub3A_214, %div3A_193 : i32
        %add3A_216 = arith.addi %mul3A_2, %select_n3A_215 : i32
        %jit3A_217 = arith.constant 2 : i32
        %eq3A_218 = arith.constant 0 : i32
        %eq3A_219 = arith.cmpi eq, %jit3A_217, %eq3A_218 : i32
        %jit3A_220 = arith.constant 1 : i32
        %select_n3A_221 = arith.select %eq3A_219, %jit3A_220, %jit3A_217 : i32
        %rem3A_222 = arith.remsi %add3A_119, %select_n3A_221 : i32
        %ne3A_223 = arith.constant 0 : i32
        %ne3A_224 = arith.cmpi ne, %rem3A_222, %ne3A_223 : i32
        %lt3A_225 = arith.constant 0 : i32
        %lt3A_226 = arith.cmpi slt, %rem3A_222, %lt3A_225 : i32
        %lt3A_227 = arith.constant 0 : i32
        %lt3A_228 = arith.cmpi slt, %select_n3A_221, %lt3A_227 : i32
        %ne3A_229 = arith.xori %lt3A_226, %lt3A_228 : i1
        %and3A_230 = arith.andi %ne3A_229, %ne3A_224 : i1
        %add3A_231 = arith.addi %rem3A_222, %select_n3A_221 : i32
        %select_n3A_232 = arith.select %and3A_230, %add3A_231, %rem3A_222 : i32
        %mul3A_233 = arith.constant 16384 : i32
        %mul3A_234 = arith.muli %select_n3A_232, %mul3A_233 : i32
        %dma_start3A_235 = tpu.memref_slice %arg2[%add3A_216, %mul3A_234] : memref<1024x32768xf32, #tpu.memory_space<hbm>> -> memref<1x16384xf32, #tpu.memory_space<hbm>>
        %dma_start3A_236 = tpu.memref_squeeze %dma_start3A_235 : memref<1x16384xf32, #tpu.memory_space<hbm>> -> memref<16384xf32, #tpu.memory_space<hbm>>
        %dma_start3A_237 = tpu.memref_slice %arg2[%add3A_216, %mul3A_234] : memref<1024x32768xf32, #tpu.memory_space<hbm>> -> memref<1x16384xf32, #tpu.memory_space<hbm>>
        %dma_start3A_238 = tpu.memref_squeeze %dma_start3A_237 : memref<1x16384xf32, #tpu.memory_space<hbm>> -> memref<16384xf32, #tpu.memory_space<hbm>>
        tpu.enqueue_dma source(%dma_start3A_238 : memref<16384xf32, #tpu.memory_space<hbm>>) target(%arg5 : memref<16384xf32, #tpu.memory_space<vmem>>) target_semaphore(%arg10 : memref<!tpu.dma_semaphore, #tpu.memory_space<semaphore_mem>>)
        %jit3A_239 = arith.constant 2 : i32
        %div3A_240 = arith.divsi %add3A_119, %jit3A_239 : i32
        %sign3A_241 = arith.constant 0 : i32
        %sign3A_242 = arith.cmpi sgt, %add3A_119, %sign3A_241 : i32
        %sign3A_243 = arith.extui %sign3A_242 : i1 to i32
        %sign3A_244 = arith.constant 0 : i32
        %sign3A_245 = arith.cmpi slt, %add3A_119, %sign3A_244 : i32
        %sign3A_246 = arith.extui %sign3A_245 : i1 to i32
        %sign3A_247 = arith.subi %sign3A_243, %sign3A_246 : i32
        %sign3A_248 = arith.constant 0 : i32
        %sign3A_249 = arith.cmpi sgt, %jit3A_239, %sign3A_248 : i32
        %sign3A_250 = arith.extui %sign3A_249 : i1 to i32
        %sign3A_251 = arith.constant 0 : i32
        %sign3A_252 = arith.cmpi slt, %jit3A_239, %sign3A_251 : i32
        %sign3A_253 = arith.extui %sign3A_252 : i1 to i32
        %sign3A_254 = arith.subi %sign3A_250, %sign3A_253 : i32
        %ne3A_255 = arith.cmpi ne, %sign3A_247, %sign3A_254 : i32
        %rem3A_256 = arith.remsi %add3A_119, %jit3A_239 : i32
        %ne3A_257 = arith.constant 0 : i32
        %ne3A_258 = arith.cmpi ne, %rem3A_256, %ne3A_257 : i32
        %and3A_259 = arith.andi %ne3A_255, %ne3A_258 : i1
        %sub3A_260 = arith.constant 1 : i32
        %sub3A_261 = arith.subi %div3A_240, %sub3A_260 : i32
        %select_n3A_262 = arith.select %and3A_259, %sub3A_261, %div3A_240 : i32
        %add3A_263 = arith.addi %mul3A_2, %select_n3A_262 : i32
        %jit3A_264 = arith.constant 2 : i32
        %eq3A_265 = arith.constant 0 : i32
        %eq3A_266 = arith.cmpi eq, %jit3A_264, %eq3A_265 : i32
        %jit3A_267 = arith.constant 1 : i32
        %select_n3A_268 = arith.select %eq3A_266, %jit3A_267, %jit3A_264 : i32
        %rem3A_269 = arith.remsi %add3A_119, %select_n3A_268 : i32
        %ne3A_270 = arith.constant 0 : i32
        %ne3A_271 = arith.cmpi ne, %rem3A_269, %ne3A_270 : i32
        %lt3A_272 = arith.constant 0 : i32
        %lt3A_273 = arith.cmpi slt, %rem3A_269, %lt3A_272 : i32
        %lt3A_274 = arith.constant 0 : i32
        %lt3A_275 = arith.cmpi slt, %select_n3A_268, %lt3A_274 : i32
        %ne3A_276 = arith.xori %lt3A_273, %lt3A_275 : i1
        %and3A_277 = arith.andi %ne3A_276, %ne3A_271 : i1
        %add3A_278 = arith.addi %rem3A_269, %select_n3A_268 : i32
        %select_n3A_279 = arith.select %and3A_277, %add3A_278, %rem3A_269 : i32
        %mul3A_280 = arith.constant 16384 : i32
        %mul3A_281 = arith.muli %select_n3A_279, %mul3A_280 : i32
        %dma_start3A_282 = tpu.memref_slice %arg3[%add3A_263, %mul3A_281] : memref<1024x32768xf32, #tpu.memory_space<hbm>> -> memref<1x16384xf32, #tpu.memory_space<hbm>>
        %dma_start3A_283 = tpu.memref_squeeze %dma_start3A_282 : memref<1x16384xf32, #tpu.memory_space<hbm>> -> memref<16384xf32, #tpu.memory_space<hbm>>
        %dma_start3A_284 = tpu.memref_slice %arg3[%add3A_263, %mul3A_281] : memref<1024x32768xf32, #tpu.memory_space<hbm>> -> memref<1x16384xf32, #tpu.memory_space<hbm>>
        %dma_start3A_285 = tpu.memref_squeeze %dma_start3A_284 : memref<1x16384xf32, #tpu.memory_space<hbm>> -> memref<16384xf32, #tpu.memory_space<hbm>>
        tpu.enqueue_dma source(%dma_start3A_285 : memref<16384xf32, #tpu.memory_space<hbm>>) target(%arg7 : memref<16384xf32, #tpu.memory_space<vmem>>) target_semaphore(%arg12 : memref<!tpu.dma_semaphore, #tpu.memory_space<semaphore_mem>>)
      } else {
      }
      %jit3A_125 = arith.constant 2 : i32
      %eq3A_126 = arith.constant 0 : i32
      %eq3A_127 = arith.cmpi eq, %jit3A_125, %eq3A_126 : i32
      %jit3A_128 = arith.constant 1 : i32
      %select_n3A_129 = arith.select %eq3A_127, %jit3A_128, %jit3A_125 : i32
      %rem3A_130 = arith.remsi %add3A_31, %select_n3A_129 : i32
      %ne3A_131 = arith.constant 0 : i32
      %ne3A_132 = arith.cmpi ne, %rem3A_130, %ne3A_131 : i32
      %lt3A_133 = arith.constant 0 : i32
      %lt3A_134 = arith.cmpi slt, %rem3A_130, %lt3A_133 : i32
      %lt3A_135 = arith.constant 0 : i32
      %lt3A_136 = arith.cmpi slt, %select_n3A_129, %lt3A_135 : i32
      %ne3A_137 = arith.xori %lt3A_134, %lt3A_136 : i1
      %and3A_138 = arith.andi %ne3A_137, %ne3A_132 : i1
      %add3A_139 = arith.addi %rem3A_130, %select_n3A_129 : i32
      %select_n3A_140 = arith.select %and3A_138, %add3A_139, %rem3A_130 : i32
      %eq3A_141 = arith.constant 0 : i32
      %eq3A_142 = arith.cmpi eq, %select_n3A_140, %eq3A_141 : i32
      %jit3A_143 = arith.constant 0.000000e+00 : f32
      %select_n3A_144 = arith.select %eq3A_142, %jit3A_143, %parallel_loop3A_63 : f32
      %parallel_loop3A_145 = arith.constant 0 : i32
      %parallel_loop3A_146 = arith.constant 1024 : i32
      %parallel_loop3A_147 = arith.constant 1 : i32
      %parallel_loop3A_148 = scf.for %parallel_loop3A_192 = %parallel_loop3A_145 to %parallel_loop3A_146 step %parallel_loop3A_147 iter_args(%parallel_loop3A_193 = %select_n3A_144) -> (f32)  : i32 {
        %parallel_loop3A_194 = arith.constant 16 : i32
        %parallel_loop3A_195 = arith.muli %parallel_loop3A_192, %parallel_loop3A_194 : i32
        %parallel_loop3A_196 = arith.index_cast %parallel_loop3A_195 : i32 to index
        %parallel_loop3A_197 = tpu.vector_load %arg6[%parallel_loop3A_196] {strides = array<i32>} : memref<16384xf32, #tpu.memory_space<vmem>>, vector<16xf32>,
        %parallel_loop3A_198 = arith.index_cast %parallel_loop3A_195 : i32 to index
        %parallel_loop3A_199 = tpu.vector_load %arg8[%parallel_loop3A_198] {strides = array<i32>} : memref<16384xf32, #tpu.memory_space<vmem>>, vector<16xf32>,
        %parallel_loop3A_200 = arith.mulf %parallel_loop3A_197, %parallel_loop3A_199 : vector<16xf32>
        %parallel_loop3A_201 = arith.constant true
        %parallel_loop3A_202 = vector.broadcast %parallel_loop3A_201 : i1 to vector<16xi1>
        %parallel_loop3A_203 = tpu.scan <sum>, %parallel_loop3A_200 masked %parallel_loop3A_202 : vector<16xf32>, vector<16xi1> -> vector<16xf32>
        %parallel_loop3A_204 = vector.broadcast %parallel_loop3A_193 : f32 to vector<16xf32>
        %parallel_loop3A_205 = arith.addf %parallel_loop3A_203, %parallel_loop3A_204 : vector<16xf32>
        %parallel_loop3A_206 = arith.index_cast %parallel_loop3A_195 : i32 to index
        %parallel_loop3A_207 = tpu.vector_load %arg9[%parallel_loop3A_206] {strides = array<i32>} : memref<16384xf32, #tpu.memory_space<vmem>>, vector<16xf32>,
        tpu.vector_store %arg9[%parallel_loop3A_206], %parallel_loop3A_205 {strides = array<i32>} : memref<16384xf32, #tpu.memory_space<vmem>>, vector<16xf32>,
        %parallel_loop3A_208 = arith.constant true
        %parallel_loop3A_209 = vector.broadcast %parallel_loop3A_208 : i1 to vector<16xi1>
        %parallel_loop3A_210 = tpu.scan <sum>, %parallel_loop3A_200 masked %parallel_loop3A_209 : vector<16xf32>, vector<16xi1> -> vector<16xf32>
        %parallel_loop3A_211 = vector.extract %parallel_loop3A_210[15] : f32 from vector<16xf32>
        %parallel_loop3A_212 = arith.addf %parallel_loop3A_193, %parallel_loop3A_211 : f32
        scf.yield %parallel_loop3A_212 : f32
      } {sc.loop_unroll_factor = 8 : i64, sc.parallel_access}
      %jit3A_149 = arith.constant 2 : i32
      %div3A_150 = arith.divsi %add3A_31, %jit3A_149 : i32
      %sign3A_151 = arith.constant 0 : i32
      %sign3A_152 = arith.cmpi sgt, %add3A_31, %sign3A_151 : i32
      %sign3A_153 = arith.extui %sign3A_152 : i1 to i32
      %sign3A_154 = arith.constant 0 : i32
      %sign3A_155 = arith.cmpi slt, %add3A_31, %sign3A_154 : i32
      %sign3A_156 = arith.extui %sign3A_155 : i1 to i32
      %sign3A_157 = arith.subi %sign3A_153, %sign3A_156 : i32
      %sign3A_158 = arith.constant 0 : i32
      %sign3A_159 = arith.cmpi sgt, %jit3A_149, %sign3A_158 : i32
      %sign3A_160 = arith.extui %sign3A_159 : i1 to i32
      %sign3A_161 = arith.constant 0 : i32
      %sign3A_162 = arith.cmpi slt, %jit3A_149, %sign3A_161 : i32
      %sign3A_163 = arith.extui %sign3A_162 : i1 to i32
      %sign3A_164 = arith.subi %sign3A_160, %sign3A_163 : i32
      %ne3A_165 = arith.cmpi ne, %sign3A_157, %sign3A_164 : i32
      %rem3A_166 = arith.remsi %add3A_31, %jit3A_149 : i32
      %ne3A_167 = arith.constant 0 : i32
      %ne3A_168 = arith.cmpi ne, %rem3A_166, %ne3A_167 : i32
      %and3A_169 = arith.andi %ne3A_165, %ne3A_168 : i1
      %sub3A_170 = arith.constant 1 : i32
      %sub3A_171 = arith.subi %div3A_150, %sub3A_170 : i32
      %select_n3A_172 = arith.select %and3A_169, %sub3A_171, %div3A_150 : i32
      %add3A_173 = arith.addi %mul3A_2, %select_n3A_172 : i32
      %jit3A_174 = arith.constant 2 : i32
      %eq3A_175 = arith.constant 0 : i32
      %eq3A_176 = arith.cmpi eq, %jit3A_174, %eq3A_175 : i32
      %jit3A_177 = arith.constant 1 : i32
      %select_n3A_178 = arith.select %eq3A_176, %jit3A_177, %jit3A_174 : i32
      %rem3A_179 = arith.remsi %add3A_31, %select_n3A_178 : i32
      %ne3A_180 = arith.constant 0 : i32
      %ne3A_181 = arith.cmpi ne, %rem3A_179, %ne3A_180 : i32
      %lt3A_182 = arith.constant 0 : i32
      %lt3A_183 = arith.cmpi slt, %rem3A_179, %lt3A_182 : i32
      %lt3A_184 = arith.constant 0 : i32
      %lt3A_185 = arith.cmpi slt, %select_n3A_178, %lt3A_184 : i32
      %ne3A_186 = arith.xori %lt3A_183, %lt3A_185 : i1
      %and3A_187 = arith.andi %ne3A_186, %ne3A_181 : i1
      %add3A_188 = arith.addi %rem3A_179, %select_n3A_178 : i32
      %select_n3A_189 = arith.select %and3A_187, %add3A_188, %rem3A_179 : i32
      %mul3A_190 = arith.constant 16384 : i32
      %mul3A_191 = arith.muli %select_n3A_189, %mul3A_190 : i32
      "tpu.region"() ({
        %run_scoped3A = tpu.sem_alloc : memref<!tpu.dma_semaphore, #tpu.memory_space<semaphore_mem>>
        %dma_start3A_192 = tpu.memref_slice %arg4[%add3A_173, %mul3A_191] : memref<1024x32768xf32, #tpu.memory_space<hbm>> -> memref<1x16384xf32, #tpu.memory_space<hbm>>
        %dma_start3A_193 = tpu.memref_squeeze %dma_start3A_192 : memref<1x16384xf32, #tpu.memory_space<hbm>> -> memref<16384xf32, #tpu.memory_space<hbm>>
        %dma_start3A_194 = tpu.memref_slice %arg4[%add3A_173, %mul3A_191] : memref<1024x32768xf32, #tpu.memory_space<hbm>> -> memref<1x16384xf32, #tpu.memory_space<hbm>>
        %dma_start3A_195 = tpu.memref_squeeze %dma_start3A_194 : memref<1x16384xf32, #tpu.memory_space<hbm>> -> memref<16384xf32, #tpu.memory_space<hbm>>
        tpu.enqueue_dma source(%arg9 : memref<16384xf32, #tpu.memory_space<vmem>>) target(%dma_start3A_195 : memref<16384xf32, #tpu.memory_space<hbm>>) target_semaphore(%run_scoped3A : memref<!tpu.dma_semaphore, #tpu.memory_space<semaphore_mem>>)
        %dma_wait3A_196 = tpu.memref_slice %arg4[%add3A_173, %mul3A_191] : memref<1024x32768xf32, #tpu.memory_space<hbm>> -> memref<1x16384xf32, #tpu.memory_space<hbm>>
        %dma_wait3A_197 = tpu.memref_squeeze %dma_wait3A_196 : memref<1x16384xf32, #tpu.memory_space<hbm>> -> memref<16384xf32, #tpu.memory_space<hbm>>
        %dma_wait3A_198 = tpu.memref_slice %arg4[%add3A_173, %mul3A_191] : memref<1024x32768xf32, #tpu.memory_space<hbm>> -> memref<1x16384xf32, #tpu.memory_space<hbm>>
        %dma_wait3A_199 = tpu.memref_squeeze %dma_wait3A_198 : memref<1x16384xf32, #tpu.memory_space<hbm>> -> memref<16384xf32, #tpu.memory_space<hbm>>
        tpu.wait_dma2 semaphore(%run_scoped3A : memref<!tpu.dma_semaphore, #tpu.memory_space<semaphore_mem>>) src(%arg9 : memref<16384xf32, #tpu.memory_space<vmem>>) dst(%dma_wait3A_199 : memref<16384xf32, #tpu.memory_space<hbm>>)
        tpu.yield
      }) : () -> ()
      scf.yield %parallel_loop3A_148 : f32
    }
    %scan3A_23 = arith.constant 32 : i32
    return
  }
}

</mosaic_0001>

<sc_bundles>
// kernel: _masked_cumsum.3.cloned.1.call-start
scs
__scs_entry_jumppad:
0x0: {  	(pc) =	sbr.rel $0x88, $3  }
0x1: {  	(tag) =	ssettag $0x0;
	lr =	simm.s32 $0x1  }
0x2: {  	[smem:$0x3F9F] =	sst lr;
	_ =	strace $0xD0000000  }
0x3: {  	_ = 	snop  }
0x4: {  	_ = 	snop  }
0x5: {  	_ = 	snop  }
0x6: {  	_ = 	snop  }
0x7: {  	_ = 	snop  }
__scs_overlays_trampoline_lowered:
0x8: {  	[smem:$0x3FAE] =	sst s0  }
0x9: {  	[smem:$0x3FAF] =	sst s1  }
0xa: {  	[smem:$0x3FB0] =	sst s2  }
0xb: {  	[smem:$0x3FB1] =	sst s3  }
0xc: {  	[smem:$0x3FB2] =	sst s4  }
0xd: {  	[smem:$0x3FB3] =	sst s5  }
0xe: {  	[smem:$0x3FB4] =	sst s6  }
0xf: {  	[smem:$0x3FB5] =	sst s7  }
0x10: {  	[smem:$0x3FB6] =	sst s8  }
0x11: {  	[smem:$0x3FB7] =	sst s9;
	s0 =	simm.s32 @!p0 $0x0  }
0x12: {  	s1 =	sld [smem:$0x3F9D];
	s0 =	simm.s32 @p0 $0x1  }
0x13: {  	[smem:$0x3FB8] =	sst s0;
	s0 =	simm.s32 @!p1 $0x0  }
0x14: {  	s2 =	sld [smem:$0x3F9C];
	s0 =	simm.s32 @p1 $0x1  }
0x15: {  	[smem:$0x3FB9] =	sst s0;
	s0 =	simm.s32 @!p2 $0x0  }
0x16: {  	s3 =	sld [smem:$0x3FDB];
	s0 =	simm.s32 @p2 $0x1  }
0x17: {  	s4 =	simm.s32 $0x1BF5;
	[smem:$0x3FBB] =	sst s0  }
0x18: {  	s0 =	sld [smem:$0x3F9E];
	_ =	swait.ge [sflag:s4], $0x0  }
0x19: {  	s7 =	sld [smem:$0x3F9F]  }
0x1a: {  	s8 =	sadd.s32 $0xFFFFE003, lr  }
0x1b: {  	s9 =	sadd.s32 $0xFFFFFEF7, lr;
	s5 =	simm.s32 $0xFFFFFFFF;
	p2 =	slt.u32 s8, $0xFFFFF086  }
0x1c: {  	p1 =	slt.u32 s9, $0xF7A;
	s5 =	simm.s32 @!p2 $0x0  }
0x1d: {  	s5 =	simm.s32 @p1 $0x1;
	p0 =	seq.s32 s7, s2  }
0x1e: {  	s7 =	smul.u32 @!p0 $0xF7A, s2;
	p2 =	seq.s32 @!p0 s5, $0x0  }
0x1f: {  	s9 =	smul.u32 $0xF7A, s1;
	s8 =	simm.s32 @!p0 $0x1BF5;
	p2 =	por !p2, p0  }
0x20: {  	[sflag:s8] =	ssyncset.s32 @!p0 $0xFFFFF086;
	s6 =	sadd.s32 @!p0 s3, s7;
	s7 =	simm.s32 @!p0 $0x108  }
0x21: {  	s3 =	sadd.s32 s3, s9;
	s6 =	sadd.s32 @!p0 $0x88, s6;
	s7 =	simm.s32 @p2 $0x1082  }
0x22: {  	[simem:s7], [sflag:s8] =	dma.local @!p0 [hbm:s6], $0xF7A  }
0x23: {  	s9 =	sor.u32 $0xD0000000, s2;
	s6 =	simm.s32 $0x108;
	_ =	swait.ge @!p0 [sflag:s8], $0x0  }
0x24: {  	s3 =	sadd.s32 $0x88, s3;
	s6 =	simm.s32 @!p1 $0x1082;
	[sflag:s4] =	ssyncset.s32 $0xFFFFF086  }
0x25: {  	[simem:s6], [sflag:s4] =	dma.local [hbm:s3], $0xF7A  }
0x26: {  	[smem:$0x3F9F] =	sst s1;
	(tag) =	ssettag s2;
	_ =	strace s9  }
0x27: {  	s1 =	sld [smem:$0x3FAF]  }
0x28: {  	s2 =	sld [smem:$0x3FB0]  }
0x29: {  	s4 =	sld [smem:$0x3FB2]  }
0x2a: {  	p0 =	seq.s32 s5, $0x0;
	s5 =	sld [smem:$0x3FB3]  }
0x2b: {  	s6 =	sld [smem:$0x3FB4]  }
0x2c: {  	s7 =	sld [smem:$0x3FB5]  }
0x2d: {  	s3 =	simm.s32 $0x108;
	s8 =	sld [smem:$0x3FB6]  }
0x2e: {  	s3 =	simm.s32 @!p0 $0x1082;
	s9 =	sld [smem:$0x3FB7]  }
0x2f: {  	lr =	sadd.s32 s0, s3;
	s0 =	sld [smem:$0x3FAE]  }
0x30: {  	s3 =	sld [smem:$0x3FB1]  }
0x31: {  	[smem:$0x3FBA] =	sst s10  }
0x32: {  	s10 =	sld [smem:$0x3FB8];
	_ =	sdelay $0x3  }
0x33: {  	p0 =	seq.s32 s10, $0x1;
	s10 =	sld [smem:$0x3FBA];
	_ =	sdelay $0x3  }
0x34: {  	[smem:$0x3FBA] =	sst s10  }
0x35: {  	s10 =	sld [smem:$0x3FB9];
	_ =	sdelay $0x3  }
0x36: {  	p1 =	seq.s32 s10, $0x1;
	s10 =	sld [smem:$0x3FBA];
	_ =	sdelay $0x3  }
0x37: {  	[smem:$0x3FBA] =	sst s10  }
0x38: {  	s10 =	sld [smem:$0x3FBB]  }
0x39: {  	_ = 	snop;
	(pc) =	sbr.ind lr, $3  }
0x3a: {  	_ = 	snop  }
0x3b: {  	_ = 	snop  }
0x3c: {  	p2 =	seq.s32 s10, $0x1;
	s10 =	sld [smem:$0x3FBA]  }
0x3d: {  	_ =	shalt  }
0x3e: {  	_ =	shalt  }
0x3f: {  	_ =	shalt  }
0x40: {  	_ =	shalt  }
0x41: {  	_ =	shalt  }
0x42: {  	_ =	shalt  }
0x43: {  	_ =	shalt  }
0x44: {  	_ =	shalt  }
0x45: {  	_ =	shalt  }
0x46: {  	_ =	shalt  }
0x47: {  	_ =	shalt  }
0x48: {  	_ =	shalt  }
0x49: {  	_ =	shalt  }
0x4a: {  	_ =	shalt  }
0x4b: {  	_ =	shalt  }
0x4c: {  	_ =	shalt  }
0x4d: {  	_ =	shalt  }
0x4e: {  	_ =	shalt  }
0x4f: {  	_ =	shalt  }
0x50: {  	_ =	shalt  }
0x51: {  	_ =	shalt  }
0x52: {  	_ =	shalt  }
0x53: {  	_ =	shalt  }
0x54: {  	_ =	shalt  }
0x55: {  	_ =	shalt  }
0x56: {  	_ =	shalt  }
0x57: {  	_ =	shalt  }
0x58: {  	_ =	shalt  }
0x59: {  	_ =	shalt  }
0x5a: {  	_ =	shalt  }
0x5b: {  	_ =	shalt  }
0x5c: {  	_ =	shalt  }
0x5d: {  	_ =	shalt  }
0x5e: {  	_ =	shalt  }
0x5f: {  	_ =	shalt  }
0x60: {  	_ =	shalt  }
0x61: {  	_ =	shalt  }
0x62: {  	_ =	shalt  }
0x63: {  	_ =	shalt  }
0x64: {  	_ =	shalt  }
0x65: {  	_ =	shalt  }
0x66: {  	_ =	shalt  }
0x67: {  	_ =	shalt  }
0x68: {  	_ =	shalt  }
0x69: {  	_ =	shalt  }
0x6a: {  	_ =	shalt  }
0x6b: {  	_ =	shalt  }
0x6c: {  	_ =	shalt  }
0x6d: {  	_ =	shalt  }
0x6e: {  	_ =	shalt  }
0x6f: {  	_ =	shalt  }
0x70: {  	_ =	shalt  }
0x71: {  	_ =	shalt  }
0x72: {  	_ =	shalt  }
0x73: {  	_ =	shalt  }
0x74: {  	_ =	shalt  }
0x75: {  	_ =	shalt  }
0x76: {  	_ =	shalt  }
0x77: {  	_ =	shalt  }
0x78: {  	_ =	shalt  }
0x79: {  	_ =	shalt  }
0x7a: {  	_ =	shalt  }
0x7b: {  	_ =	shalt  }
0x7c: {  	_ =	shalt  }
0x7d: {  	_ =	shalt  }
0x7e: {  	_ =	shalt  }
0x7f: {  	_ =	shalt  }
0x80: {  	_ =	shalt  }
0x81: {  	_ =	shalt  }
0x82: {  	_ =	shalt  }
0x83: {  	_ =	shalt  }
0x84: {  	_ =	shalt  }
0x85: {  	_ =	shalt  }
0x86: {  	_ =	shalt  }
0x87: {  	_ =	shalt  }
.Lfunc_end0:
.L_simem_size_0:
called_computation_lowered:
.L_overlay_start_0:
0x88: {  	s2 =	sld [smem:$0x3FD9]  }
0x89: {  	s3 =	sld [smem:$0x3FFE];
	_ =	sdelay $0x1  }
0x8a: {  	s1 =	srdreg.scid  }
0x8b: {  	s0 =	sand.u32 $0x1, s1  }
0x8c: {  	s18 =	sshll.u32 s0, $0xA;
	s2 =	sadd.s32 s3, s2  }
0x8d: {  	s2 =	sadd.s32 s2, s18  }
0x8e: {  	[smem:$0x3FC6] =	sst s2  }
0x8f: {  	_ = 	snop  }
0x90: {  	s2 =	sld [smem:$0x3FC9]  }
0x91: {  	s19 =	sld [smem:$0x3FC8]  }
0x92: {  	s4 =	sld [smem:$0x3FD0];
	(tm) =	ssettm $0x1  }
0x93: {  	s5 =	sld [smem:$0x3FFB];
	_ =	sdelay $0x3  }
0x94: {  	_ =	strace s5  }
0x95: {  	s5 =	sld [smem:$0x3FFC];
	_ =	sdelay $0x3  }
0x96: {  	_ =	strace s5  }
0x97: {  	s5 =	sld [smem:$0x3FFD];
	_ =	sdelay $0x3  }
0x98: {  	_ =	strace s5  }
0x99: {  	_ =	strace $0x8FFFFFFF  }
0x9a: {  	s20 =	sld [smem:$0x3FDB];
	_ =	sdelay $0x1  }
0x9b: {  	s6 =	simm.s32 $_scs_section_size  }
0x9c: {  	s7 =	simm.s32 $_size__tile_overlayer_lowered;
	s8 =	simm.s32 $_tile_overlayer_lowered  }
0x9d: {  	s23 =	simm.s32 $0x1BFF;
	s22 =	sshll.u32 s8, $0x1;
	s5 =	sadd.s32 s6, s20  }
0x9e: {  	s9 =	simm.s32 $0x0;
	s21 =	sshll.u32 s7, $0x1;
	s7 =	sadd.s32 s22, s5  }
0x9f: {  	[timem:s9], [sflag:s23] =	dma.local [hbm:s7], s21  }
0xa0: {  	_ =	swait.ge [sflag:s23], s21  }
0xa1: {  	s6 =	ssub.s32 $0x0, s21;
	[sflag:s23] =	ssyncset.done $0x0  }
0xa2: {  	[sflag:s23] =	ssyncadd.s32 s6;
	_ =	sdelay $0x1  }
0xa3: {  	s24 =	simm.s32 $0x1B8B  }
0xa4: {  	_ =	swait.ge [sflag:s24], $0x1  }
0xa5: {  	[sflag:s24] =	ssyncset.done $0x0  }
0xa6: {  	s25 =	simm.s32 $0x1B8E;
	[sflag:s24] =	ssyncadd.s32 $0xFFFFFFFF  }
0xa7: {  	s26 =	simm.s32 $execute0_lowered;
	[smem:$0x3FD2] =	sst s25  }
0xa8: {  	s6 =	sshll.u32 s26, $0x1;
	_ =	strace $0x80000046;
	[dreg:$0x1] =	wrdreg $0xFFFFFFFF  }
0xa9: {  	s28 =	simm.s32 $_size_execute0_lowered;
	s5 =	sadd.s32 s5, s6;
	[dreg:$0x0] =	wrdreg $0x0  }
0xaa: {  	s6 =	sshll.u32 s28, $0x1;
	[dreg:$0x2] =	wrdreg s5  }
0xab: {  	[dreg:$0x3] =	wrdreg s6  }
0xac: {  	[dreg:$0x4] =	wrdreg $0xC0  }
0xad: {  	_ =	task [dreg:s9], $0x5FFFF  }
0xae: {  	[dreg:$0x1] =	wrdreg $0xFFFFFFFF  }
0xaf: {  	[dreg:$0x0] =	wrdreg $0x60  }
0xb0: {  	[dreg:$0x2] =	wrdreg s2  }
0xb1: {  	[dreg:$0x3] =	wrdreg s19  }
0xb2: {  	[dreg:$0x4] =	wrdreg s4  }
0xb3: {  	[dreg:$0x5] =	wrdreg $0x9  }
0xb4: {  	_ =	task.clear_ibuf [dreg:s9], $0x6FFFF;
	_ =	strace $0x90000046  }
0xb5: {  	s29 =	simm.s32 $0x9;
	_ =	strace $0x80000048  }
0xb6: {  	_ =	swait.ge [sflag:s29], $0x1  }
0xb7: {  	[sflag:s29] =	ssyncadd.s32 $0xFFFFFFFF  }
0xb8: {  	_ =	strace $0x90000048  }
0xb9: {  	_ =	sfence  }
0xba: {  	s30 =	sld [smem:$0x0];
	_ =	sdelay $0x2  }
0xbb: {  	s31 =	sshll.u32 s1, $0xD;
	s1 =	sshrl.u32 s1, $0x2  }
0xbc: {  	s3 =	sand.u32 $0x4000, s31;
	s1 =	sadd.s32 s1, s30  }
0xbd: {  	s0 =	sor.u32 s3, s0;
	s1 =	sshll.u32 s1, $0x11  }
0xbe: {  	s0 =	sor.u32 s1, s0  }
0xbf: {  	s0 =	sadd.s32 $0x8F2B, s0  }
0xc0: {  	[sflag:s0] =	ssyncadd.remote.s32 $0x1  }
0xc1: {  	_ =	sfence.sel $0xFFFF  }
0xc2: {  	[dreg:$0x0] =	wrdreg $0xFFFFFFFF;
	(pc) =	sbr.abs _section_cstart, $3  }
0xc3: {  	[dreg:$0x1] =	wrdreg $0xFFFFFFFF  }
0xc4: {  	_ =	task.clear_ibuf [dreg:s9], $0x2FFFF;
	_ =	strace $0x9FFFFFFF  }
0xc5: {  	(tm) =	ssettm $0x7FFFFFFF  }
tec
execute0_lowered:
.L_overlay_start_1:
0x0: {  	(tag) =	ssettag $0x1  }
0x1: {  	s1 =	rddreg [dreg:$0x0]  }
0x2: {  	s2 =	rddreg [dreg:$0x1]  }
0x3: {  	s4 =	rddreg [dreg:$0x2];
	s0 =	srdreg.scid;
	s7 =	simm.s32 $0x0  }
0x4: {  	s5 =	stileid.u32;
	s10 =	simm.s32 $0x80;
	s11 =	simm.s32 $0x400  }
0x5: {  	s13 =	simm.s32 $0x1;
	s14 =	simm.s32 $0x3;
	s15 =	simm.s32 $0x4000  }
0x6: {  	s16 =	simm.s32 $0xC000;
	s17 =	simm.s32 $0x10000;
	s0 =	sand.u32 $0x1, s0  }
0x7: {  	s6 =	sshll.u32 s5, $0x6;
	s3 =	ssub.s32 $0x2, s0;
	s0 =	sshll.u32 s0, $0x5  }
0x8: {  	s18 =	simm.s32 $0x5;
	s19 =	simm.s32 $0x2;
	s6 =	sor.u32 s0, s6  }
0x9: {  	s20 =	simm.s32 $0x4;
	[smem:$0x7FF] =	sst s7;
	s30 =	sshll.u32 s6, $0xC  }
0xa: {  	_ =	strace $0x80000047;
	s28 =	sshrl.u32 s3, $0x1;
	s31 =	sadd.s32 s1, s30  }
0xb: {  	s29 =	ssub.s32 s3, s28;
	s3 =	sadd.s32 s2, s30;
	[dreg:$0x4] =	wrdreg s31  }
0xc: {  	s21 =	simm.s32 $0x0;
	s9 =	smax.u32 s29, $0x1;
	[dreg:$0x5] =	wrdreg s3  }
.LBB2_1:
0xd: {  	s0 =	simm.s32 $0x0;
	s3 =	rddreg [dreg:$0x4]  }
0xe: {  	[tilespmem:s0], [sflag:$0x1] =	stream.strided.gather [hbm4b:s3+s10], $0x4000, s11, s10, $0x38;
	[tilespmem:$0x14000] =	vst v63  }
0xf: {  	s30 =	rddreg [dreg:$0x5];
	s31 =	simm.s32 $0x8000;
	s22 =	simm.s32 $0x0  }
0x10: {  	[tilespmem:s31], [sflag:$0x3] =	stream.strided.gather [hbm4b:s30+s10], $0x4000, s11, s10, $0x38;
	[tilespmem:$0x14000] =	vst v63  }
.LBB2_2:
0x11: {  	_ =	swait.ge [sflag:s13], $0x4000;
	s0 =	sadd.s32 s6, s22  }
0x12: {  	s3 =	sshll.u32 s22, $0x4;
	[sflag:s13] =	ssyncset.done $0x0;
	s0 =	sshll.u32 s0, $0xC  }
0x13: {  	s3 =	sand.u32 $0x70, s3;
	[sflag:s13] =	ssyncadd.s32 $0xFFFFC000;
	s0 =	sand.u32 $0x3F8000, s0  }
0x14: {  	_ =	swait.ge [sflag:s14], $0x4000;
	s24 =	sor.u32 s3, s0  }
0x15: {  	[sflag:s14] =	ssyncset.done $0x0;
	s23 =	sor.u32 $0x4000, s24  }
0x16: {  	[sflag:s14] =	ssyncadd.s32 $0xFFFFC000;
	s8 =	sadd.s32 s1, s23  }
0x17: {  	[tilespmem:s15], [sflag:$0x2] =	stream.strided.gather [hbm4b:s8+s10], $0x4000, s11, s10, $0x38;
	[tilespmem:$0x14000] =	vst v63  }
0x18: {  	s25 =	simm.s32 $0x8040;
	s12 =	sadd.s32 s2, s23  }
0x19: {  	[tilespmem:s16], [sflag:$0x4] =	stream.strided.gather [hbm4b:s12+s10], $0x4000, s11, s10, $0x38;
	[tilespmem:$0x14000] =	vst v63  }
0x1a: {  	s26 =	simm.s32 $0x40;
	v0 =	vld [tilespmem:s25+$0xFFFFFFE0]  }
0x1b: {  	v1 =	vld [tilespmem:s26+$0xFFFFFFE0]  }
0x1c: {  	v2 =	vld [tilespmem:s26+$0xFFFFFFC0]  }
0x1d: {  	v3 =	vld [tilespmem:s25+$0xFFFFFFC0]  }
0x1e: {  	v4 =	vld [tilespmem:s25+$0xFFFFFFD0]  }
0x1f: {  	v5 =	vld [tilespmem:s26+$0xFFFFFFD0];
	_ =	sdelay $0x1  }
0x20: {  	v6 =	vld [tilespmem:s25+$0x0]  }
0x21: {  	v7 =	vld [tilespmem:s26+$0x0];
	v0 =	vmul.f32 v0, v1  }
0x22: {  	v1 =	vmul.f32 v3, v2;
	v2 =	vld [tilespmem:s25+$0xFFFFFFF0]  }
0x23: {  	v3 =	vmul.f32 v4, v5;
	(xrf2) =	vadd.scan.msk.f32 $0xffff, v0;
	v0 =	vld [tilespmem:s26+$0xFFFFFFF0]  }
0x24: {  	(xrf2) =	vadd.scan.msk.f32 $0xffff, v1  }
0x25: {  	v4 =	vld [tilespmem:s25+$0x10];
	(xrf2) =	vadd.scan.msk.f32 $0xffff, v3  }
0x26: {  	v1 =	vld [tilespmem:s26+$0x10]  }
0x27: {  	v5 =	vld [tilespmem:s26+$0x20]  }
0x28: {  	v3 =	vmul.f32 v6, v7;
	v0 =	vmul.f32 v2, v0;
	v2 =	vld [tilespmem:s25+$0x20];
	_ =	sdelay $0x1  }
0x29: {  	(xrf2) =	vadd.scan.msk.f32 $0xffff, v3  }
0x2a: {  	(xrf2) =	vadd.scan.msk.f32 $0xffff, v0;
	v0 =	vmul.f32 v4, v1;
	_ =	sdelay $0x1  }
0x2b: {  	v1, _, _ =	vpop (xrf2);
	v2 =	vmul.f32 v2, v5  }
0x2c: {  	v4 =	vld [tilespmem:s26+$0x30];
	v3, _, _ =	vpop (xrf2);
	(xrf2) =	vadd.scan.msk.f32 $0xffff, v0  }
0x2d: {  	(v2sf) =	vpush v3, $0xF;
	v0, _, _ =	vpop (xrf2);
	(xrf2) =	vadd.scan.msk.f32 $0xffff, v2;
	v2 =	vld [tilespmem:s25+$0x30]  }
0x2e: {  	s7 =	simm.s32 $0xC0  }
0x2f: {  	v8 =	vld [tilespmem:s7+$0xFFFFFFE0];
	(v2sf) =	vpush v0, $0xF  }
0x30: {  	s5 =	simm.s32 $0x80C0;
	v9 =	vld [tilespmem:s7+$0xFFFFFFC0]  }
0x31: {  	v10 =	vld [tilespmem:s5+$0xFFFFFFC0];
	(v2sf) =	vpush v1, $0xF  }
0x32: {  	v5 =	vld [tilespmem:s5+$0xFFFFFFE0];
	v2 =	vmul.f32 v2, v4  }
0x33: {  	v11 =	vld [tilespmem:s5+$0xFFFFFFD0]  }
0x34: {  	v14 =	vld [tilespmem:s5+$0x0];
	v6, _, _ =	vpop (xrf2);
	(xrf2) =	vadd.scan.msk.f32 $0xffff, v2  }
0x35: {  	v7, _, _ =	vpop (xrf2);
	v4 =	vld [tilespmem:s7+$0x0]  }
0x36: {  	v13 =	vld [tilespmem:s7+$0xFFFFFFD0];
	(v2sf) =	vpush v7, $0xF  }
0x37: {  	v5 =	vmul.f32 v5, v8  }
0x38: {  	(v2sf) =	vpush v6, $0xF;
	v2 =	vmul.f32 v10, v9  }
0x39: {  	v12, _, _ =	vpop (xrf2);
	(xrf2) =	vadd.scan.msk.f32 $0xffff, v5  }
0x3a: {  	(v2sf) =	vpush v12, $0xF;
	v15, _, _ =	vpop (xrf2);
	(xrf2) =	vadd.scan.msk.f32 $0xffff, v2;
	v2 =	vmul.f32 v14, v4  }
0x3b: {  	v8 =	vmul.f32 v11, v13;
	v9 =	vld [tilespmem:s7+$0xFFFFFFF0]  }
0x3c: {  	s26 =	simm.f32 $0.0e+00;
	v5 =	vld [tilespmem:s5+$0xFFFFFFF0];
	(v2sf) =	vpush v15, $0xF;
	s25 =	spop (v2sf)  }
0x3d: {  	(xrf2) =	vadd.scan.msk.f32 $0xffff, v8;
	s30 =	sadd.f32 s25, s26  }
0x3e: {  	v3 =	vadd.f32 s26, v3;
	v4 =	vld [tilespmem:s7+$0x10];
	(xrf2) =	vadd.scan.msk.f32 $0xffff, v2;
	s8 =	spop (v2sf);
	v2, _, _ =	vpop (xrf2)  }
0x3f: {  	v8 =	vld [tilespmem:s5+$0x10];
	s31 =	sadd.f32 s8, s30;
	v0 =	vadd.f32 s30, v0;
	(v2sf) =	vpush v2, $0xF  }
0x40: {  	s25 =	simm.s32 $0x10040;
	s12 =	spop (v2sf)  }
0x41: {  	v61 =	vld [tilespmem:s7+$0x20];
	[tilespmem:s25+$0xFFFFFFC0] =	vst v3;
	v3 =	vmul.f32 v5, v9;
	s12 =	sadd.f32 s12, s31  }
0x42: {  	v11 =	vld [tilespmem:s5+$0x20]  }
0x43: {  	v62 =	vld [tilespmem:s5+$0x30];
	[tilespmem:s25+$0xFFFFFFD0] =	vst v0;
	v0, _, _ =	vpop (xrf2);
	(xrf2) =	vadd.scan.msk.f32 $0xffff, v3;
	v3 =	vadd.f32 s12, v7  }
0x44: {  	s28 =	simm.s32 $0x140;
	v16 =	vld [tilespmem:s7+$0x30];
	v9 =	vmul.f32 v8, v4;
	v1 =	vadd.f32 s31, v1;
	v4, _, _ =	vpop (xrf2)  }
0x45: {  	s29 =	simm.s32 $0x8140;
	v17 =	vld [tilespmem:s28+$0x0];
	s5 =	spop (v2sf);
	(v2sf) =	vpush v4, $0xF  }
0x46: {  	v10 =	vld [tilespmem:s29+$0x0];
	s0 =	sadd.f32 s5, s12;
	[tilespmem:s25+$0xFFFFFFE0] =	vst v1;
	(xrf2) =	vadd.scan.msk.f32 $0xffff, v9  }
0x47: {  	v8 =	vld [tilespmem:s29+$0xFFFFFFE0];
	s7 =	spop (v2sf);
	v1 =	vmul.f32 v11, v61;
	[tilespmem:s25+$0xFFFFFFF0] =	vst v3;
	v3, _, _ =	vpop (xrf2)  }
0x48: {  	v9 =	vld [tilespmem:s28+$0xFFFFFFE0];
	s3 =	sadd.f32 s7, s0;
	(v2sf) =	vpush v3, $0xF  }
0x49: {  	v7 =	vadd.f32 s0, v6;
	(xrf2) =	vadd.scan.msk.f32 $0xffff, v1;
	s8 =	spop (v2sf);
	(v2sf) =	vpush v0, $0xF  }
0x4a: {  	v63 =	vmul.f32 v62, v16;
	v11 =	vld [tilespmem:s29+$0xFFFFFFC0];
	s12 =	sadd.f32 s8, s3;
	v12 =	vadd.f32 s3, v12  }
0x4b: {  	s30 =	simm.s32 $0x8140;
	s31 =	simm.s32 $0x10;
	v6 =	vmul.f32 v10, v17;
	v10 =	vld [tilespmem:s28+$0xFFFFFFC0];
	s26 =	spop (v2sf);
	[tilespmem:s25+$0x0] =	vst v7  }
0x4c: {  	v5 =	vld [tilespmem:s29+$0xFFFFFFD0];
	s0 =	simm.s32 $0x140;
	(xrf2) =	vadd.scan.msk.f32 $0xffff, v63;
	v1, _, _ =	vpop (xrf2);
	s3 =	sadd.f32 s26, s12;
	[tilespmem:s25+$0x10] =	vst v12;
	v7 =	vadd.f32 s12, v15;
	s26 =	simm.s32 $0x100C0  }
.LBB2_3:
0x4d: {  	s31 =	sadd.s32 $0x8, s31;
	v12 =	vld [tilespmem:s28+$0xFFFFFFD0];
	v8 =	vmul.f32 v8, v9;
	s0 =	sadd.s32 $0x80, s0;
	s29 =	sadd.s32 $0x80, s29;
	v9, _, _ =	vpop (xrf2)  }
0x4e: {  	v13 =	vld [tilespmem:s29+$0x0];
	p0 =	slt.u32 s31, $0x3F8;
	(v2sf) =	vpush v9, $0xF;
	[tilespmem:s25+$0x20] =	vst v7;
	v2 =	vadd.f32 s3, v2;
	s12 =	spop (v2sf)  }
0x4f: {  	v7 =	vld [tilespmem:s0+$0x0];
	(xrf2) =	vadd.scan.msk.f32 $0xffff, v8;
	s3 =	sadd.f32 s12, s3  }
0x50: {  	v8 =	vmul.f32 v11, v10;
	v10 =	vld [tilespmem:s30+$0xFFFFFFF0];
	(v2sf) =	vpush v1, $0xF;
	v11, _, _ =	vpop (xrf2);
	[tilespmem:s25+$0x30] =	vst v2;
	s25 =	smov.u32 s26  }
0x51: {  	v2 =	vld [tilespmem:s28+$0xFFFFFFF0];
	v4 =	vadd.f32 s3, v4  }
0x52: {  	v12 =	vmul.f32 v5, v12;
	v5 =	vld [tilespmem:s29+$0xFFFFFFD0];
	(xrf2) =	vadd.scan.msk.f32 $0xffff, v8;
	(v2sf) =	vpush v11, $0xF  }
0x53: {  	[tilespmem:s26+$0xFFFFFFC0] =	vst v4;
	v14, _, _ =	vpop (xrf2)  }
0x54: {  	v4 =	vmul.f32 v13, v7;
	s12 =	spop (v2sf);
	(v2sf) =	vpush v14, $0xF  }
0x55: {  	v7 =	vld [tilespmem:s28+$0x10];
	(xrf2) =	vadd.scan.msk.f32 $0xffff, v12  }
0x56: {  	s3 =	sadd.f32 s12, s3;
	v8 =	vmul.f32 v10, v2;
	v10 =	vld [tilespmem:s30+$0x10];
	v2, _, _ =	vpop (xrf2)  }
0x57: {  	v12 =	vld [tilespmem:s30+$0x20];
	s12 =	spop (v2sf);
	(v2sf) =	vpush v2, $0xF  }
0x58: {  	v3 =	vadd.f32 s3, v3;
	v13 =	vld [tilespmem:s28+$0x20];
	(xrf2) =	vadd.scan.msk.f32 $0xffff, v6;
	s3 =	sadd.f32 s12, s3;
	s12 =	spop (v2sf);
	v6 =	vmov v4  }
0x59: {  	v4, _, _ =	vpop (xrf2)  }
0x5a: {  	[tilespmem:s26+$0xFFFFFFD0] =	vst v3;
	v3 =	vadd.f32 s3, v0;
	s3 =	sadd.f32 s12, s3;
	v0 =	vmov v4  }
0x5b: {  	v7 =	vmul.f32 v10, v7;
	v10 =	vld [tilespmem:s30+$0x30];
	(xrf2) =	vadd.scan.msk.f32 $0xffff, v8;
	s30 =	smov.u32 s29  }
0x5c: {  	v15 =	vld [tilespmem:s28+$0x30];
	v4, _, _ =	vpop (xrf2);
	[tilespmem:s26+$0xFFFFFFE0] =	vst v3;
	v9 =	vadd.f32 s3, v9;
	s28 =	smov.u32 s0  }
0x5d: {  	v12 =	vmul.f32 v12, v13;
	(v2sf) =	vpush v4, $0xF;
	s12 =	spop (v2sf)  }
0x5e: {  	(xrf2) =	vadd.scan.msk.f32 $0xffff, v7;
	[tilespmem:s26+$0xFFFFFFF0] =	vst v9;
	s3 =	sadd.f32 s12, s3  }
0x5f: {  	v8 =	vld [tilespmem:s29+$0xFFFFFFE0];
	v3, _, _ =	vpop (xrf2);
	s12 =	spop (v2sf)  }
.Ltmp0:
0x60: {  	v9 =	vld [tilespmem:s0+$0xFFFFFFE0];
	(v2sf) =	vpush v3, $0xF;
	v7 =	vadd.f32 s3, v1;
	s3 =	sadd.f32 s12, s3;
	(pc) =	sbr.rel @p0 .LBB2_3-.Ltmp0, $4  }
0x61: {  	v13 =	vmul.f32 v10, v15;
	(v2sf) =	vpush v0, $0xF;
	(xrf2) =	vadd.scan.msk.f32 $0xffff, v12;
	s12 =	spop (v2sf)  }
0x62: {  	v10 =	vld [tilespmem:s0+$0xFFFFFFC0];
	v1, _, _ =	vpop (xrf2);
	[tilespmem:s26+$0x0] =	vst v7;
	v7 =	vadd.f32 s3, v11;
	s3 =	sadd.f32 s12, s3  }
0x63: {  	v11 =	vld [tilespmem:s29+$0xFFFFFFC0];
	s12 =	spop (v2sf)  }
0x64: {  	s26 =	sadd.s32 $0x80, s26;
	(xrf2) =	vadd.scan.msk.f32 $0xffff, v13;
	[tilespmem:s25+$0x10] =	vst v7;
	v7 =	vadd.f32 s3, v14;
	s3 =	sadd.f32 s12, s3  }
0x65: {  	v12 =	vld [tilespmem:s28+$0xFFFFFFD0]  }
0x66: {  	v8 =	vmul.f32 v8, v9;
	_ =	sdelay $0x1  }
0x67: {  	(xrf2) =	vadd.scan.msk.f32 $0xffff, v8;
	v8 =	vld [tilespmem:s28+$0xFFFFFFF0];
	v9 =	vmul.f32 v11, v10  }
0x68: {  	v10 =	vld [tilespmem:s30+$0xFFFFFFF0]  }
0x69: {  	v11, _, _ =	vpop (xrf2);
	v5 =	vmul.f32 v5, v12;
	(xrf2) =	vadd.scan.msk.f32 $0xffff, v9  }
0x6a: {  	(v2sf) =	vpush v11, $0xF  }
0x6b: {  	v9 =	vld [tilespmem:s28+$0x10];
	(xrf2) =	vadd.scan.msk.f32 $0xffff, v5  }
0x6c: {  	(v2sf) =	vpush v1, $0xF;
	v5 =	vld [tilespmem:s30+$0x10]  }
0x6d: {  	v13 =	vld [tilespmem:s28+$0x20];
	v52, _, _ =	vpop (xrf2);
	v8 =	vmul.f32 v10, v8  }
0x6e: {  	(v2sf) =	vpush v52, $0xF;
	v10 =	vld [tilespmem:s30+$0x20];
	(xrf2) =	vadd.scan.msk.f32 $0xffff, v6  }
0x6f: {  	v6, _, _ =	vpop (xrf2);
	(xrf2) =	vadd.scan.msk.f32 $0xffff, v8  }
0x70: {  	(v2sf) =	vpush v6, $0xF  }
0x71: {  	s0 =	spop (v2sf);
	v8, _, _ =	vpop (xrf2);
	v5 =	vmul.f32 v5, v9  }
0x72: {  	v14 =	vld [tilespmem:s30+$0x30];
	s0 =	sadd.f32 s0, s3;
	(v2sf) =	vpush v8, $0xF;
	v9, _, _ =	vpop (xrf2)  }
0x73: {  	v15 =	vld [tilespmem:s28+$0x30];
	s12 =	spop (v2sf);
	v10 =	vmul.f32 v10, v13;
	v16, _, _ =	vpop (xrf2);
	(xrf2) =	vadd.scan.msk.f32 $0xffff, v5  }
0x74: {  	s12 =	sadd.f32 s12, s0;
	(v2sf) =	vpush v16, $0xF  }
0x75: {  	s28 =	spop (v2sf);
	(xrf2) =	vadd.scan.msk.f32 $0xffff, v10;
	v5, _, _ =	vpop (xrf2)  }
0x76: {  	s28 =	sadd.f32 s28, s12;
	(v2sf) =	vpush v5, $0xF  }
0x77: {  	s29 =	spop (v2sf)  }
0x78: {  	s29 =	sadd.f32 s29, s28;
	v10 =	vmul.f32 v14, v15;
	v53, _, _ =	vpop (xrf2);
	(v2sf) =	vpush v9, $0xF  }
0x79: {  	s30 =	spop (v2sf);
	v54, _, _ =	vpop (xrf2)  }
0x7a: {  	(xrf2) =	vadd.scan.msk.f32 $0xffff, v10;
	s30 =	sadd.f32 s30, s29;
	(v2sf) =	vpush v54, $0xF  }
0x7b: {  	s31 =	spop (v2sf)  }
0x7c: {  	s31 =	sadd.f32 s31, s30;
	(v2sf) =	vpush v53, $0xF  }
0x7d: {  	s5 =	spop (v2sf);
	v10, _, _ =	vpop (xrf2)  }
0x7e: {  	s5 =	sadd.f32 s5, s31;
	(v2sf) =	vpush v10, $0xF  }
0x7f: {  	s7 =	spop (v2sf);
	v55, _, _ =	vpop (xrf2)  }
0x80: {  	s7 =	sadd.f32 s7, s5;
	(v2sf) =	vpush v55, $0xF  }
0x81: {  	s8 =	spop (v2sf)  }
0x82: {  	v2 =	vadd.f32 s3, v2;
	s3 =	sadd.f32 s8, s7  }
0x83: {  	[tilespmem:s25+$0x20] =	vst v7;
	v4 =	vadd.f32 s0, v4;
	s8 =	spop (v2sf)  }
0x84: {  	[tilespmem:s25+$0x30] =	vst v2;
	v2 =	vadd.f32 s12, v3;
	v3, _, _ =	vpop (xrf2);
	s0 =	sadd.f32 s8, s3  }
0x85: {  	[tilespmem:s26+$0xFFFFFFC0] =	vst v4;
	v0 =	vadd.f32 s28, v0;
	s12 =	spop (v2sf);
	(v2sf) =	vpush v3, $0xF  }
0x86: {  	[tilespmem:s26+$0xFFFFFFD0] =	vst v2;
	v4 =	vadd.f32 s29, v11;
	s8 =	sadd.f32 s12, s0  }
0x87: {  	[tilespmem:s26+$0xFFFFFFE0] =	vst v0;
	v0 =	vadd.f32 s30, v1;
	s25 =	spop (v2sf)  }
0x88: {  	[tilespmem:s26+$0xFFFFFFF0] =	vst v4;
	v1 =	vadd.f32 s31, v52;
	s12 =	sadd.f32 s25, s8  }
0x89: {  	[tilespmem:s26+$0x0] =	vst v0;
	v0 =	vadd.f32 s5, v6;
	s31 =	spop (v2sf)  }
0x8a: {  	[tilespmem:s26+$0x10] =	vst v1;
	v1 =	vadd.f32 s7, v8;
	s5 =	sadd.f32 s31, s12  }
0x8b: {  	[tilespmem:s26+$0x20] =	vst v0;
	v0 =	vadd.f32 s3, v16;
	s25 =	spop (v2sf)  }
0x8c: {  	s7 =	sadd.s32 $0x80, s26;
	[tilespmem:s26+$0x30] =	vst v1;
	v1 =	vadd.f32 s0, v5;
	s31 =	sadd.f32 s25, s5  }
0x8d: {  	[tilespmem:s7+$0xFFFFFFC0] =	vst v0;
	v0 =	vadd.f32 s8, v9;
	s8 =	spop (v2sf)  }
0x8e: {  	[tilespmem:s7+$0xFFFFFFD0] =	vst v1;
	v1 =	vadd.f32 s12, v54;
	s3 =	sadd.f32 s8, s31  }
0x8f: {  	[tilespmem:s7+$0xFFFFFFE0] =	vst v0;
	v0 =	vadd.f32 s5, v53;
	s25 =	spop (v2sf)  }
0x90: {  	[tilespmem:s7+$0xFFFFFFF0] =	vst v1;
	v1 =	vadd.f32 s31, v10;
	s26 =	sadd.f32 s25, s3  }
0x91: {  	[tilespmem:s7+$0x0] =	vst v0;
	v0 =	vadd.f32 s3, v55  }
0x92: {  	[tilespmem:s7+$0x10] =	vst v1;
	v1 =	vadd.f32 s26, v3  }
0x93: {  	[tilespmem:s7+$0x20] =	vst v0  }
0x94: {  	s31 =	spop (v2sf);
	[tilespmem:s7+$0x30] =	vst v1;
	s7 =	sadd.s32 s4, s24  }
0x95: {  	[hbm4b:s7+s10] =	stream.strided.scatter [tilespmem:s17], [sflag:$0x5], $0x4000, s11, s10, $0x38;
	[tilespmem:$0x14000] =	vst v63  }
0x96: {  	p0 =	seq.s32 s22, $0x1F;
	_ =	swait.ge [sflag:s18], $0x4000  }
0x97: {  	s5 =	sshll.u32 @!p0 s22, $0x1;
	[sflag:s18] =	ssyncset.done $0x0  }
0x98: {  	s5 =	sadd.s32 @!p0 $0x2, s5;
	[sflag:s18] =	ssyncadd.s32 $0xFFFFC000  }
0x99: {  	s7 =	sshrl.u32 @!p0 s5, $0x1;
	_ =	swait.ge [sflag:s19], $0x4000  }
0x9a: {  	s12 =	simm.s32 @!p0 $0x400;
	s7 =	sadd.s32 @!p0 s6, s7;
	[sflag:s19] =	ssyncset.done $0x0  }
0x9b: {  	s5 =	sshll.u32 @!p0 s5, $0x3;
	s7 =	sshll.u32 @!p0 s7, $0xC;
	[sflag:s19] =	ssyncadd.s32 $0xFFFFC000  }
0x9c: {  	s5 =	sand.u32 @!p0 $0x70, s5;
	s7 =	sand.u32 @!p0 $0xFFF8000, s7;
	_ =	swait.ge [sflag:s20], $0x4000  }
0x9d: {  	s8 =	simm.s32 @!p0 $0x80;
	s5 =	sor.u32 @!p0 s5, s7;
	[sflag:s20] =	ssyncset.done $0x0  }
0x9e: {  	s24 =	simm.s32 @!p0 $0x0;
	s7 =	sadd.s32 @!p0 s1, s5;
	[sflag:s20] =	ssyncadd.s32 $0xFFFFC000  }
0x9f: {  	[tilespmem:s24], [sflag:$0x1] =	stream.strided.gather @!p0 [hbm4b:s7+s8], $0x4000, s12, s8, $0x38;
	[tilespmem:$0x14000] =	vst v63  }
0xa0: {  	s5 =	sadd.s32 @!p0 s2, s5;
	s7 =	simm.s32 @!p0 $0x8000  }
0xa1: {  	[tilespmem:s7], [sflag:$0x3] =	stream.strided.gather @!p0 [hbm4b:s5+s8], $0x4000, s12, s8, $0x38;
	[tilespmem:$0x14000] =	vst v63  }
0xa2: {  	s8 =	simm.s32 $0xC040  }
0xa3: {  	s12 =	simm.s32 $0x4040;
	v0 =	vld [tilespmem:s8+$0xFFFFFFE0]  }
0xa4: {  	v1 =	vld [tilespmem:s12+$0xFFFFFFE0]  }
0xa5: {  	v2 =	vld [tilespmem:s12+$0xFFFFFFC0]  }
0xa6: {  	v3 =	vld [tilespmem:s8+$0xFFFFFFC0]  }
0xa7: {  	v4 =	vld [tilespmem:s8+$0xFFFFFFD0]  }
0xa8: {  	v5 =	vld [tilespmem:s12+$0xFFFFFFD0];
	_ =	sdelay $0x1  }
0xa9: {  	v6 =	vld [tilespmem:s8+$0x0]  }
0xaa: {  	v7 =	vld [tilespmem:s12+$0x0];
	v0 =	vmul.f32 v0, v1  }
0xab: {  	v1 =	vmul.f32 v3, v2;
	v2 =	vld [tilespmem:s8+$0xFFFFFFF0]  }
0xac: {  	v3 =	vmul.f32 v4, v5;
	(xrf2) =	vadd.scan.msk.f32 $0xffff, v0;
	v0 =	vld [tilespmem:s12+$0xFFFFFFF0]  }
0xad: {  	(xrf2) =	vadd.scan.msk.f32 $0xffff, v1  }
0xae: {  	v4 =	vld [tilespmem:s8+$0x10];
	(xrf2) =	vadd.scan.msk.f32 $0xffff, v3  }
0xaf: {  	v1 =	vld [tilespmem:s12+$0x10]  }
0xb0: {  	v5 =	vld [tilespmem:s12+$0x20]  }
0xb1: {  	v3 =	vmul.f32 v6, v7;
	v0 =	vmul.f32 v2, v0;
	v2 =	vld [tilespmem:s8+$0x20];
	_ =	sdelay $0x1  }
0xb2: {  	(xrf2) =	vadd.scan.msk.f32 $0xffff, v3  }
0xb3: {  	(xrf2) =	vadd.scan.msk.f32 $0xffff, v0;
	v0 =	vmul.f32 v4, v1;
	_ =	sdelay $0x1  }
0xb4: {  	v1, _, _ =	vpop (xrf2);
	v2 =	vmul.f32 v2, v5  }
0xb5: {  	v4 =	vld [tilespmem:s12+$0x30];
	v3, _, _ =	vpop (xrf2);
	(xrf2) =	vadd.scan.msk.f32 $0xffff, v0  }
0xb6: {  	(v2sf) =	vpush v3, $0xF;
	v0, _, _ =	vpop (xrf2);
	(xrf2) =	vadd.scan.msk.f32 $0xffff, v2;
	v2 =	vld [tilespmem:s8+$0x30]  }
0xb7: {  	s7 =	simm.s32 $0x40C0  }
0xb8: {  	v8 =	vld [tilespmem:s7+$0xFFFFFFE0];
	(v2sf) =	vpush v0, $0xF  }
0xb9: {  	s24 =	simm.s32 $0xC0C0;
	v9 =	vld [tilespmem:s7+$0xFFFFFFC0]  }
0xba: {  	v10 =	vld [tilespmem:s24+$0xFFFFFFC0];
	(v2sf) =	vpush v1, $0xF  }
0xbb: {  	v5 =	vld [tilespmem:s24+$0xFFFFFFE0];
	v2 =	vmul.f32 v2, v4  }
0xbc: {  	v11 =	vld [tilespmem:s24+$0xFFFFFFD0]  }
0xbd: {  	v58 =	vld [tilespmem:s24+$0x0];
	v6, _, _ =	vpop (xrf2);
	(xrf2) =	vadd.scan.msk.f32 $0xffff, v2  }
0xbe: {  	v7, _, _ =	vpop (xrf2);
	v4 =	vld [tilespmem:s7+$0x0]  }
0xbf: {  	v57 =	vld [tilespmem:s7+$0xFFFFFFD0];
	(v2sf) =	vpush v7, $0xF  }
0xc0: {  	v5 =	vmul.f32 v5, v8  }
0xc1: {  	(v2sf) =	vpush v6, $0xF;
	v2 =	vmul.f32 v10, v9  }
0xc2: {  	v56, _, _ =	vpop (xrf2);
	(xrf2) =	vadd.scan.msk.f32 $0xffff, v5  }
0xc3: {  	(v2sf) =	vpush v56, $0xF;
	v59, _, _ =	vpop (xrf2);
	(xrf2) =	vadd.scan.msk.f32 $0xffff, v2;
	v2 =	vmul.f32 v58, v4  }
0xc4: {  	s0 =	sadd.f32 s31, s26;
	v8 =	vmul.f32 v11, v57;
	v9 =	vld [tilespmem:s7+$0xFFFFFFF0]  }
0xc5: {  	v5 =	vld [tilespmem:s24+$0xFFFFFFF0];
	(v2sf) =	vpush v59, $0xF;
	s25 =	spop (v2sf)  }
0xc6: {  	v61 =	vld [tilespmem:s24+$0x30];
	(xrf2) =	vadd.scan.msk.f32 $0xffff, v8;
	s3 =	sadd.f32 s25, s0  }
0xc7: {  	v3 =	vadd.f32 s0, v3;
	v4 =	vld [tilespmem:s7+$0x10];
	(xrf2) =	vadd.scan.msk.f32 $0xffff, v2;
	s26 =	spop (v2sf);
	v2, _, _ =	vpop (xrf2)  }
0xc8: {  	v8 =	vld [tilespmem:s24+$0x10];
	s8 =	sadd.f32 s26, s3;
	v0 =	vadd.f32 s3, v0;
	(v2sf) =	vpush v2, $0xF  }
0xc9: {  	v11 =	vld [tilespmem:s24+$0x20];
	s24 =	simm.s32 $0x10040;
	s31 =	spop (v2sf)  }
0xca: {  	[tilespmem:s24+$0xFFFFFFC0] =	vst v3;
	v3 =	vmul.f32 v5, v9;
	s12 =	sadd.f32 s31, s8  }
0xcb: {  	v60 =	vld [tilespmem:s7+$0x20]  }
0xcc: {  	[tilespmem:s24+$0xFFFFFFD0] =	vst v0;
	v0, _, _ =	vpop (xrf2);
	(xrf2) =	vadd.scan.msk.f32 $0xffff, v3;
	v3 =	vadd.f32 s12, v7  }
0xcd: {  	s28 =	simm.s32 $0xC140;
	v62 =	vld [tilespmem:s7+$0x30];
	v9 =	vmul.f32 v8, v4;
	v1 =	vadd.f32 s8, v1;
	v4, _, _ =	vpop (xrf2)  }
0xce: {  	v10 =	vld [tilespmem:s28+$0x0];
	s26 =	simm.s32 $0x4140;
	s5 =	spop (v2sf);
	(v2sf) =	vpush v4, $0xF  }
0xcf: {  	v17 =	vld [tilespmem:s26+$0x0];
	s0 =	sadd.f32 s5, s12;
	[tilespmem:s24+$0xFFFFFFE0] =	vst v1;
	(xrf2) =	vadd.scan.msk.f32 $0xffff, v9  }
0xd0: {  	v8 =	vld [tilespmem:s28+$0xFFFFFFE0];
	s7 =	spop (v2sf);
	v1 =	vmul.f32 v11, v60;
	[tilespmem:s24+$0xFFFFFFF0] =	vst v3;
	v3, _, _ =	vpop (xrf2)  }
0xd1: {  	v9 =	vld [tilespmem:s26+$0xFFFFFFE0];
	s3 =	sadd.f32 s7, s0;
	(v2sf) =	vpush v3, $0xF  }
0xd2: {  	v7 =	vadd.f32 s0, v6;
	(xrf2) =	vadd.scan.msk.f32 $0xffff, v1;
	s12 =	spop (v2sf);
	(v2sf) =	vpush v0, $0xF  }
0xd3: {  	v63 =	vmul.f32 v61, v62;
	v11 =	vld [tilespmem:s28+$0xFFFFFFC0];
	s25 =	sadd.f32 s12, s3;
	v12 =	vadd.f32 s3, v56  }
0xd4: {  	s29 =	simm.s32 $0xC140;
	s30 =	simm.s32 $0x10;
	v6 =	vmul.f32 v10, v17;
	v10 =	vld [tilespmem:s26+$0xFFFFFFC0];
	s31 =	spop (v2sf);
	[tilespmem:s24+$0x0] =	vst v7  }
0xd5: {  	v5 =	vld [tilespmem:s28+$0xFFFFFFD0];
	s0 =	simm.s32 $0x4140;
	(xrf2) =	vadd.scan.msk.f32 $0xffff, v63;
	v1, _, _ =	vpop (xrf2);
	s3 =	sadd.f32 s31, s25;
	[tilespmem:s24+$0x10] =	vst v12;
	v7 =	vadd.f32 s25, v59;
	s25 =	simm.s32 $0x100C0  }
.LBB2_5:
0xd6: {  	s30 =	sadd.s32 $0x8, s30;
	v12 =	vld [tilespmem:s26+$0xFFFFFFD0];
	v8 =	vmul.f32 v8, v9;
	s0 =	sadd.s32 $0x80, s0;
	s28 =	sadd.s32 $0x80, s28;
	v9, _, _ =	vpop (xrf2)  }
0xd7: {  	v13 =	vld [tilespmem:s28+$0x0];
	p0 =	slt.u32 s30, $0x3F8;
	(v2sf) =	vpush v9, $0xF;
	[tilespmem:s24+$0x20] =	vst v7;
	v2 =	vadd.f32 s3, v2;
	s5 =	spop (v2sf)  }
0xd8: {  	v7 =	vld [tilespmem:s0+$0x0];
	(xrf2) =	vadd.scan.msk.f32 $0xffff, v8;
	s3 =	sadd.f32 s5, s3  }
0xd9: {  	v8 =	vmul.f32 v11, v10;
	v10 =	vld [tilespmem:s29+$0xFFFFFFF0];
	(v2sf) =	vpush v1, $0xF;
	v11, _, _ =	vpop (xrf2);
	[tilespmem:s24+$0x30] =	vst v2;
	s24 =	smov.u32 s25  }
0xda: {  	v2 =	vld [tilespmem:s26+$0xFFFFFFF0];
	v4 =	vadd.f32 s3, v4  }
0xdb: {  	v12 =	vmul.f32 v5, v12;
	v5 =	vld [tilespmem:s28+$0xFFFFFFD0];
	(xrf2) =	vadd.scan.msk.f32 $0xffff, v8;
	(v2sf) =	vpush v11, $0xF  }
0xdc: {  	[tilespmem:s25+$0xFFFFFFC0] =	vst v4;
	v14, _, _ =	vpop (xrf2)  }
0xdd: {  	v4 =	vmul.f32 v13, v7;
	s5 =	spop (v2sf);
	(v2sf) =	vpush v14, $0xF  }
0xde: {  	v7 =	vld [tilespmem:s26+$0x10];
	(xrf2) =	vadd.scan.msk.f32 $0xffff, v12  }
0xdf: {  	s3 =	sadd.f32 s5, s3;
	v8 =	vmul.f32 v10, v2;
	v10 =	vld [tilespmem:s29+$0x10];
	v2, _, _ =	vpop (xrf2)  }
0xe0: {  	v12 =	vld [tilespmem:s29+$0x20];
	s5 =	spop (v2sf);
	(v2sf) =	vpush v2, $0xF  }
0xe1: {  	v3 =	vadd.f32 s3, v3;
	v13 =	vld [tilespmem:s26+$0x20];
	(xrf2) =	vadd.scan.msk.f32 $0xffff, v6;
	s3 =	sadd.f32 s5, s3;
	s5 =	spop (v2sf);
	v6 =	vmov v4  }
0xe2: {  	v4, _, _ =	vpop (xrf2)  }
0xe3: {  	[tilespmem:s25+$0xFFFFFFD0] =	vst v3;
	v3 =	vadd.f32 s3, v0;
	s3 =	sadd.f32 s5, s3;
	v0 =	vmov v4  }
0xe4: {  	v7 =	vmul.f32 v10, v7;
	v10 =	vld [tilespmem:s29+$0x30];
	(xrf2) =	vadd.scan.msk.f32 $0xffff, v8;
	s29 =	smov.u32 s28  }
0xe5: {  	v15 =	vld [tilespmem:s26+$0x30];
	v4, _, _ =	vpop (xrf2);
	[tilespmem:s25+$0xFFFFFFE0] =	vst v3;
	v9 =	vadd.f32 s3, v9;
	s26 =	smov.u32 s0  }
0xe6: {  	v12 =	vmul.f32 v12, v13;
	(v2sf) =	vpush v4, $0xF;
	s5 =	spop (v2sf)  }
0xe7: {  	(xrf2) =	vadd.scan.msk.f32 $0xffff, v7;
	[tilespmem:s25+$0xFFFFFFF0] =	vst v9;
	s3 =	sadd.f32 s5, s3  }
0xe8: {  	v8 =	vld [tilespmem:s28+$0xFFFFFFE0];
	v3, _, _ =	vpop (xrf2);
	s5 =	spop (v2sf)  }
.Ltmp1:
0xe9: {  	v9 =	vld [tilespmem:s0+$0xFFFFFFE0];
	(v2sf) =	vpush v3, $0xF;
	v7 =	vadd.f32 s3, v1;
	s3 =	sadd.f32 s5, s3;
	(pc) =	sbr.rel @p0 .LBB2_5-.Ltmp1, $4  }
0xea: {  	v13 =	vmul.f32 v10, v15;
	(v2sf) =	vpush v0, $0xF;
	(xrf2) =	vadd.scan.msk.f32 $0xffff, v12;
	s5 =	spop (v2sf)  }
0xeb: {  	v10 =	vld [tilespmem:s0+$0xFFFFFFC0];
	v1, _, _ =	vpop (xrf2);
	[tilespmem:s25+$0x0] =	vst v7;
	v7 =	vadd.f32 s3, v11;
	s3 =	sadd.f32 s5, s3  }
0xec: {  	v11 =	vld [tilespmem:s28+$0xFFFFFFC0];
	s5 =	spop (v2sf)  }
0xed: {  	s25 =	sadd.s32 $0x80, s25;
	(xrf2) =	vadd.scan.msk.f32 $0xffff, v13;
	[tilespmem:s24+$0x10] =	vst v7;
	v7 =	vadd.f32 s3, v14;
	s3 =	sadd.f32 s5, s3  }
0xee: {  	v12 =	vld [tilespmem:s26+$0xFFFFFFD0];
	_ =	sdelay $0x1  }
0xef: {  	v8 =	vmul.f32 v8, v9  }
0xf0: {  	v33 =	vld [tilespmem:s29+$0xFFFFFFF0];
	v32 =	vmul.f32 v11, v10  }
0xf1: {  	v34 =	vld [tilespmem:s26+$0xFFFFFFF0];
	(xrf2) =	vadd.scan.msk.f32 $0xffff, v8  }
0xf2: {  	v35, _, _ =	vpop (xrf2);
	v5 =	vmul.f32 v5, v12;
	(xrf2) =	vadd.scan.msk.f32 $0xffff, v32  }
0xf3: {  	(v2sf) =	vpush v35, $0xF  }
0xf4: {  	v36 =	vld [tilespmem:s26+$0x10];
	(xrf2) =	vadd.scan.msk.f32 $0xffff, v5  }
0xf5: {  	v37 =	vld [tilespmem:s29+$0x10];
	(v2sf) =	vpush v1, $0xF  }
0xf6: {  	v39 =	vld [tilespmem:s29+$0x20];
	v38, _, _ =	vpop (xrf2);
	v8 =	vmul.f32 v33, v34  }
0xf7: {  	v13 =	vld [tilespmem:s26+$0x20];
	(v2sf) =	vpush v38, $0xF;
	(xrf2) =	vadd.scan.msk.f32 $0xffff, v6  }
0xf8: {  	v40, _, _ =	vpop (xrf2);
	(xrf2) =	vadd.scan.msk.f32 $0xffff, v8  }
0xf9: {  	(v2sf) =	vpush v40, $0xF  }
0xfa: {  	s0 =	spop (v2sf);
	v5 =	vmul.f32 v37, v36;
	v41, _, _ =	vpop (xrf2)  }
0xfb: {  	v14 =	vld [tilespmem:s29+$0x30];
	s0 =	sadd.f32 s0, s3;
	(v2sf) =	vpush v41, $0xF;
	v42, _, _ =	vpop (xrf2)  }
0xfc: {  	v15 =	vld [tilespmem:s26+$0x30];
	v10 =	vmul.f32 v39, v13;
	s5 =	spop (v2sf);
	v16, _, _ =	vpop (xrf2);
	(xrf2) =	vadd.scan.msk.f32 $0xffff, v5  }
0xfd: {  	s5 =	sadd.f32 s5, s0;
	(v2sf) =	vpush v16, $0xF  }
0xfe: {  	s7 =	spop (v2sf);
	(xrf2) =	vadd.scan.msk.f32 $0xffff, v10;
	v43, _, _ =	vpop (xrf2)  }
0xff: {  	s7 =	sadd.f32 s7, s5;
	(v2sf) =	vpush v43, $0xF  }
0x100: {  	s8 =	spop (v2sf)  }
0x101: {  	v44 =	vmul.f32 v14, v15;
	s8 =	sadd.f32 s8, s7;
	v45, _, _ =	vpop (xrf2);
	(v2sf) =	vpush v42, $0xF  }
0x102: {  	s12 =	spop (v2sf);
	v46, _, _ =	vpop (xrf2)  }
0x103: {  	s12 =	sadd.f32 s12, s8;
	(xrf2) =	vadd.scan.msk.f32 $0xffff, v44;
	(v2sf) =	vpush v46, $0xF  }
0x104: {  	s30 =	spop (v2sf)  }
0x105: {  	s26 =	sadd.f32 s30, s12;
	(v2sf) =	vpush v45, $0xF  }
0x106: {  	s28 =	spop (v2sf);
	v47, _, _ =	vpop (xrf2)  }
0x107: {  	s28 =	sadd.f32 s28, s26;
	(v2sf) =	vpush v47, $0xF  }
0x108: {  	s31 =	spop (v2sf);
	v48, _, _ =	vpop (xrf2)  }
0x109: {  	s29 =	sadd.f32 s31, s28;
	(v2sf) =	vpush v48, $0xF  }
0x10a: {  	s30 =	spop (v2sf)  }
0x10b: {  	v2 =	vadd.f32 s3, v2;
	s30 =	sadd.f32 s30, s29  }
0x10c: {  	[tilespmem:s24+$0x20] =	vst v7;
	v4 =	vadd.f32 s0, v4;
	s31 =	spop (v2sf)  }
0x10d: {  	[tilespmem:s24+$0x30] =	vst v2;
	v49 =	vadd.f32 s5, v3;
	v50, _, _ =	vpop (xrf2);
	s0 =	sadd.f32 s31, s30  }
0x10e: {  	[tilespmem:s25+$0xFFFFFFC0] =	vst v4;
	v0 =	vadd.f32 s7, v0;
	(v2sf) =	vpush v50, $0xF;
	s7 =	spop (v2sf)  }
0x10f: {  	[tilespmem:s25+$0xFFFFFFD0] =	vst v49;
	v51 =	vadd.f32 s8, v35;
	s5 =	sadd.f32 s7, s0  }
0x110: {  	[tilespmem:s25+$0xFFFFFFE0] =	vst v0;
	v52 =	vadd.f32 s12, v1;
	s8 =	spop (v2sf)  }
0x111: {  	[tilespmem:s25+$0xFFFFFFF0] =	vst v51;
	v53 =	vadd.f32 s26, v38;
	s7 =	sadd.f32 s8, s5  }
0x112: {  	[tilespmem:s25+$0x0] =	vst v52;
	v54 =	vadd.f32 s28, v40;
	s12 =	spop (v2sf)  }
0x113: {  	[tilespmem:s25+$0x10] =	vst v53;
	v55 =	vadd.f32 s29, v41;
	s8 =	sadd.f32 s12, s7  }
0x114: {  	[tilespmem:s25+$0x20] =	vst v54;
	v56 =	vadd.f32 s30, v16;
	s24 =	spop (v2sf)  }
0x115: {  	[tilespmem:s25+$0x30] =	vst v55;
	s25 =	sadd.s32 $0x80, s25;
	v57 =	vadd.f32 s0, v43;
	s26 =	sadd.f32 s24, s8  }
0x116: {  	[tilespmem:s25+$0xFFFFFFC0] =	vst v56;
	v58 =	vadd.f32 s5, v42;
	s28 =	spop (v2sf)  }
0x117: {  	[tilespmem:s25+$0xFFFFFFD0] =	vst v57;
	v59 =	vadd.f32 s7, v46;
	s3 =	sadd.f32 s28, s26  }
0x118: {  	[tilespmem:s25+$0xFFFFFFE0] =	vst v58;
	v60 =	vadd.f32 s8, v45;
	s29 =	spop (v2sf)  }
0x119: {  	[tilespmem:s25+$0xFFFFFFF0] =	vst v59;
	v61 =	vadd.f32 s26, v47;
	s30 =	sadd.f32 s29, s3  }
0x11a: {  	[tilespmem:s25+$0x0] =	vst v60;
	v62 =	vadd.f32 s3, v48  }
0x11b: {  	s22 =	sadd.s32 $0x1, s22;
	[tilespmem:s25+$0x10] =	vst v61;
	v63 =	vadd.f32 s30, v50  }
0x11c: {  	p0 =	sne.s32 s22, $0x20;
	[tilespmem:s25+$0x20] =	vst v62  }
.Ltmp2:
0x11d: {  	s0 =	sadd.s32 s4, s23;
	s31 =	spop (v2sf);
	[tilespmem:s25+$0x30] =	vst v63;
	(pc) =	sbr.rel @p0 .LBB2_2-.Ltmp2, $4  }
0x11e: {  	[hbm4b:s0+s10] =	stream.strided.scatter [tilespmem:s17], [sflag:$0x5], $0x4000, s11, s10, $0x38;
	[tilespmem:$0x14000] =	vst v63  }
0x11f: {  	_ =	swait.ge [sflag:s18], $0x4000  }
0x120: {  	[sflag:s18] =	ssyncset.done $0x0  }
0x121: {  	[sflag:s18] =	ssyncadd.s32 $0xFFFFC000  }
0x122: {  	s21 =	sadd.s32 $0x1, s21  }
0x123: {  	p0 =	sne.s32 s21, s9  }
.Ltmp3:
0x124: {  	_ = 	snop;
	(pc) =	sbr.rel @p0 .LBB2_1-.Ltmp3, $1  }
0x125: {  	_ =	sdelay $0x3  }
0x126: {  	_ =	sfence.sel $0x180000  }
0x127: {  	[bflag:$0x0] =	sbarrier.arrive $0xFFFF  }
0x128: {  	_ =	strace $0x90000047  }
0x129: {  	s0 =	stileid.u32;
	[bflag:$0x2] =	sbarrier.arrive $0xFFFF  }
0x12a: {  	p0 =	sne.s32 s0, $0x0;
	s0 =	rddreg [dreg:$0x3]  }
0x12b: {  	s0 =	sadd.s32 @!p0 $0x100000, s0  }
0x12c: {  	[sflag:s0] =	ssyncadd.tile.s32 @!p0 $0x1;
	_ =	shalt  }
.Lfunc_end2:
_tile_overlayer_lowered:
.L_overlay_start_2:
0x12d: {  	(tag) =	ssettag $0x2  }
0x12e: {  	s0 =	rddreg [dreg:$0x0];
	s2 =	stileid.u32  }
0x12f: {  	s1 =	rddreg [dreg:$0x1];
	p0 =	sne.s32 s2, $0x0  }
0x130: {  	s3 =	rddreg [dreg:$0x2];
	[bflag:$0x3] =	sbarrier.arrive $0xFFFF;
	s2 =	simm.s32 @!p0 $0x1C05  }
0x131: {  	[timem:s3], [sflag:s2] =	dma.local @!p0 [hbm:s0], s1  }
0x132: {  	s0 =	simm.s32 @!p0 $0x5  }
0x133: {  	_ =	swait.ge @!p0 [sflag:s0], s1  }
0x134: {  	s1 =	ssub.s32 @!p0 $0x0, s1;
	[sflag:s0] =	ssyncset.done @!p0 $0x0  }
0x135: {  	[sflag:s0] =	ssyncadd.s32 @!p0 s1  }
0x136: {  	[bflag:$0x3] =	sbarrier.arrive $0xFFFF  }
0x137: {  	_ =	shalt  }

</sc_bundles>
